<compile_context>
chip_gen: v7x
topology: tpu7x:2x2x1
jax: 0.10.2.dev20260603
libtpu: 0.0.44.dev20260713+nightly
codegen_flags: <defaults>
</compile_context>

<pallas_src>
import jax
import jax.numpy as jnp
from jax import lax
from jax.experimental import pallas as pl
from jax.experimental.pallas import tpu as pltpu
from jax.experimental.pallas import tpu_sc as plsc

_VOCABS = ['bcfks', 'fgys', 'nbcgrpuewy', 'tf', 'alcyfmnps', 'adfn', 'cwd',
           'bn', 'knbhgropuewy', 'et', 'bcuezr?', 'fyks', 'fyks',
           'nbcgopewy', 'nbcgopewy', 'pu', 'nowy', 'not', 'ceflnpsz',
           'knbhrouwy', 'acnsvy', 'glmpuwd']
_SIZES = [len(v) + 2 for v in _VOCABS]
_NF = len(_SIZES)
_OFFS = [0] * _NF
for _i in range(1, _NF):
    _OFFS[_i] = _OFFS[_i - 1] + _SIZES[_i - 1]
_TOTAL = _OFFS[-1] + _SIZES[-1]
_B = 16384

_NC, _NS, _L = 2, 16, 16
_NW = _NC * _NS
_RPW = _B // _NW
_GROUPS = _RPW // _L
_TPAD = 176
_WPAD = 2 * _TPAD
_NCHUNK = 4
_RPC = _RPW // _NCHUNK
_GPC = _RPC // _L


def _body(idx_hbm, w_hbm, out_hbm, idx_v, w_v, d_v, out_v, sems):
    c = lax.axis_index("c")
    s = lax.axis_index("s")
    wid = s * _NC + c
    base = wid * _RPW

    dmas = [
        pltpu.async_copy(
            idx_hbm.at[pl.ds(base + k * _RPC, _RPC), :],
            idx_v.at[pl.ds(k * _RPC, _RPC), :],
            sems.at[k],
        )
        for k in range(_NCHUNK)
    ]
    pltpu.sync_copy(w_hbm, w_v)

    riota = lax.iota(jnp.int32, _L)
    zeros_i = jnp.zeros((_L,), jnp.int32)

    ev = riota * 2
    for j in range(_TPAD // _L):
        w0 = plsc.load_gather(w_v, [ev + (2 * _L * j)])
        w1 = plsc.load_gather(w_v, [ev + (2 * _L * j + 1)])
        d_v[pl.ds(j * _L, _L)] = w1 - w0
    db = (plsc.load_gather(w_v, [zeros_i + (2 * _TOTAL + 1)])
          - plsc.load_gather(w_v, [zeros_i + 2 * _TOTAL]))

    one_f = jnp.full((_L,), 1.0, jnp.float32)
    zero_f = jnp.zeros((_L,), jnp.float32)

    def group(g, carry):
        rows = riota + g * _L
        acc_a = db
        acc_b = zero_f
        for i in range(_NF):
            iv = plsc.load_gather(idx_v, [rows, zeros_i + i])
            dw = plsc.load_gather(d_v, [iv + _OFFS[i]])
            if i % 2 == 0:
                acc_a = acc_a + dw
            else:
                acc_b = acc_b + dw
        d = acc_a + acc_b
        u = jnp.exp(zero_f - jnp.abs(d))
        hi = one_f / (one_f + u)
        lo = one_f - hi
        pos = d > zero_f
        o0 = jnp.where(pos, lo, hi)
        o1 = jnp.where(pos, hi, lo)
        plsc.store_scatter(out_v, [rows, zeros_i], o0)
        plsc.store_scatter(out_v, [rows, zeros_i + 1], o1)
        return carry

    for k in range(_NCHUNK):
        dmas[k].wait()
        lax.fori_loop(k * _GPC, (k + 1) * _GPC, group, 0)

    pltpu.sync_copy(out_v, out_hbm.at[pl.ds(base, _RPW), :])


@jax.jit
def _run(indices, w_flat):
    mesh = plsc.VectorSubcoreMesh(core_axis_name="c", subcore_axis_name="s")
    f = pl.kernel(
        _body,
        out_type=jax.ShapeDtypeStruct((_B, 2), jnp.float32),
        mesh=mesh,
        compiler_params=pltpu.CompilerParams(needs_layout_passes=False,
                                             use_tc_tiling_on_sc=False),
        scratch_types=[
            pltpu.VMEM((_RPW, _NF), jnp.int32),
            pltpu.VMEM((_WPAD,), jnp.float32),
            pltpu.VMEM((_TPAD,), jnp.float32),
            pltpu.VMEM((_RPW, 2), jnp.float32),
            pltpu.SemaphoreType.DMA((_NCHUNK,)),
        ],
    )
    return f(indices, w_flat)


def kernel(indices, W, b):
    w_flat = jnp.concatenate([W.reshape(-1), b,
                              jnp.zeros((_WPAD - 2 * _TOTAL - 2,),
                                        jnp.float32)])
    return _run(indices, w_flat)

# --- scband reference (transcript-rebuilt; emitter-appended) ---
"""Pipeline reference for scband-mushroom-classifier-model-32332513804361 (READ-ONLY COPY).

The authoritative reference and input builder live on the scoring server;
editing this copy changes nothing except your own understanding.
"""

import jax, jax.numpy as jnp
import numpy as np

# Hardcoded vocabularies from the original model
_VOCABS = {'cap-shape': 'bcfks', 'cap-surface': 'fgys', 'cap-color': 'nbcgrpuewy', 'bruises': 'tf', 'odor': 'alcyfmnps', 'gill-attachment': 'adfn', 'gill-spacing': 'cwd', 'gill-size': 'bn', 'gill-color': 'knbhgropuewy', 'stalk-shape': 'et', 'stalk-root': 'bcuezr?', 'stalk-surface-above-ring': 'fyks', 'stalk-surface-below-ring': 'fyks', 'stalk-color-above-ring': 'nbcgopewy', 'stalk-color-below-ring': 'nbcgopewy', 'veil-type': 'pu', 'veil-color': 'nowy', 'ring-number': 'not', 'ring-type': 'ceflnpsz', 'spore-print-color': 'knbhrouwy', 'population': 'acnsvy', 'habitat': 'glmpuwd'}
# StringLookup vocab_size = len(vocab) + mask token + 1 OOV index (TF experimental default)
_SIZES = [len(v) + 2 for v in _VOCABS.values()]
_TOTAL = int(sum(_SIZES))  # 169
_B = 16384


def setup_inputs(seed: int = 0) -> dict:
    key = jax.random.key(seed)
    k1, k2 = jax.random.split(key, 2)
    # integer indices stand in for the StringLookup output; values < min vocab size (4)
    indices = jax.random.randint(k1, (_B, len(_SIZES)), 0, 4).astype(jnp.int32)
    # Dense(2) parameters (glorot-ish init)
    W = jax.random.normal(k2, (_TOTAL, 2), dtype=jnp.float32) * 0.05
    b = jnp.zeros((2,), dtype=jnp.float32)
    return {"indices": indices, "W": W, "b": b}


def reference(indices, W, b):
    # CategoryEncoding(max_tokens=vocab_size) per field -> one-hot per field
    one_hots = [jax.nn.one_hot(indices[:, i], s, dtype=jnp.float32) for i, s in enumerate(_SIZES)]
    # Concatenate(axis=1)
    x = jnp.concatenate(one_hots, axis=1)
    # Dense(2, activation='softmax')
    logits = x @ W + b
    return jax.nn.softmax(logits, axis=-1)

if __name__ == "__main__":
    import jax
    _d = setup_inputs()
    print(jax.jit(kernel)(*tuple(_d.values())))

</pallas_src>

<mosaic_0001>
#map = affine_map<(d0, d1) -> (0, 0)>
#map1 = affine_map<(d0, d1) -> (0)>
module attributes {stable_mosaic.version = 14 : i64} {
  func.func @_body(%arg0: i32, %arg1: i32, %arg2: memref<16384x22xi32, #tpu.memory_space<hbm>>, %arg3: memref<352xf32, #tpu.memory_space<hbm>>, %arg4: memref<16384x2xf32, #tpu.memory_space<hbm>>, %arg5: memref<512x22xi32, #tpu.memory_space<vmem>>, %arg6: memref<352xf32, #tpu.memory_space<vmem>>, %arg7: memref<176xf32, #tpu.memory_space<vmem>>, %arg8: memref<512x2xf32, #tpu.memory_space<vmem>>, %arg9: memref<4x!tpu.dma_semaphore, #tpu.memory_space<semaphore_mem>>) attributes {dimension_semantics = [#tpu.dimension_semantics<core_parallel>, #tpu.dimension_semantics<subcore_parallel>], iteration_bounds = array<i64: 2, 16>, scalar_prefetch = 0 : i64, scratch_operands = 5 : i64, tpu.core_type = #tpu.core_type<sc_vector_subcore>, window_params = [{transform_indices = #map}, {transform_indices = #map1}, {transform_indices = #map}]} {
    %mul3A = arith.constant 2 : i32
    %mul3A_0 = arith.muli %arg1, %mul3A : i32
    %add3A = arith.addi %mul3A_0, %arg0 : i32
    %mul3A_1 = arith.constant 512 : i32
    %mul3A_2 = arith.muli %add3A, %mul3A_1 : i32
    %add3A_3 = arith.constant 0 : i32
    %add3A_4 = arith.addi %mul3A_2, %add3A_3 : i32
    %dma_start3A = arith.constant 0 : i32
    %dma_start3A_5 = arith.constant 0 : i32
    %dma_start3A_6 = arith.constant 0 : i32
    %dma_start3A_7 = tpu.memref_slice %arg5[%dma_start3A_5, %dma_start3A_6] : memref<512x22xi32, #tpu.memory_space<vmem>> -> memref<128x22xi32, #tpu.memory_space<vmem>>
    %dma_start3A_8 = arith.constant 0 : i32
    %dma_start3A_9 = tpu.memref_slice %arg2[%add3A_4, %dma_start3A_8] : memref<16384x22xi32, #tpu.memory_space<hbm>> -> memref<128x22xi32, #tpu.memory_space<hbm>>
    %dma_start3A_10 = tpu.memref_slice %arg9[%dma_start3A] : memref<4x!tpu.dma_semaphore, #tpu.memory_space<semaphore_mem>> -> memref<1x!tpu.dma_semaphore, #tpu.memory_space<semaphore_mem>>
    %dma_start3A_11 = tpu.memref_squeeze %dma_start3A_10 : memref<1x!tpu.dma_semaphore, #tpu.memory_space<semaphore_mem>> -> memref<!tpu.dma_semaphore, #tpu.memory_space<semaphore_mem>>
    %dma_start3A_12 = arith.constant 0 : i32
    %dma_start3A_13 = arith.constant 0 : i32
    %dma_start3A_14 = tpu.memref_slice %arg5[%dma_start3A_12, %dma_start3A_13] : memref<512x22xi32, #tpu.memory_space<vmem>> -> memref<128x22xi32, #tpu.memory_space<vmem>>
    %dma_start3A_15 = arith.constant 0 : i32
    %dma_start3A_16 = tpu.memref_slice %arg2[%add3A_4, %dma_start3A_15] : memref<16384x22xi32, #tpu.memory_space<hbm>> -> memref<128x22xi32, #tpu.memory_space<hbm>>
    tpu.enqueue_dma source(%dma_start3A_16 : memref<128x22xi32, #tpu.memory_space<hbm>>) target(%dma_start3A_14 : memref<128x22xi32, #tpu.memory_space<vmem>>) target_semaphore(%dma_start3A_11 : memref<!tpu.dma_semaphore, #tpu.memory_space<semaphore_mem>>)
    %add3A_17 = arith.constant 128 : i32
    %add3A_18 = arith.addi %mul3A_2, %add3A_17 : i32
    %dma_start3A_19 = arith.constant 1 : i32
    %dma_start3A_20 = arith.constant 128 : i32
    %dma_start3A_21 = arith.constant 0 : i32
    %dma_start3A_22 = tpu.memref_slice %arg5[%dma_start3A_20, %dma_start3A_21] : memref<512x22xi32, #tpu.memory_space<vmem>> -> memref<128x22xi32, #tpu.memory_space<vmem>>
    %dma_start3A_23 = arith.constant 0 : i32
    %dma_start3A_24 = tpu.memref_slice %arg2[%add3A_18, %dma_start3A_23] : memref<16384x22xi32, #tpu.memory_space<hbm>> -> memref<128x22xi32, #tpu.memory_space<hbm>>
    %dma_start3A_25 = tpu.memref_slice %arg9[%dma_start3A_19] : memref<4x!tpu.dma_semaphore, #tpu.memory_space<semaphore_mem>> -> memref<1x!tpu.dma_semaphore, #tpu.memory_space<semaphore_mem>>
    %dma_start3A_26 = tpu.memref_squeeze %dma_start3A_25 : memref<1x!tpu.dma_semaphore, #tpu.memory_space<semaphore_mem>> -> memref<!tpu.dma_semaphore, #tpu.memory_space<semaphore_mem>>
    %dma_start3A_27 = arith.constant 128 : i32
    %dma_start3A_28 = arith.constant 0 : i32
    %dma_start3A_29 = tpu.memref_slice %arg5[%dma_start3A_27, %dma_start3A_28] : memref<512x22xi32, #tpu.memory_space<vmem>> -> memref<128x22xi32, #tpu.memory_space<vmem>>
    %dma_start3A_30 = arith.constant 0 : i32
    %dma_start3A_31 = tpu.memref_slice %arg2[%add3A_18, %dma_start3A_30] : memref<16384x22xi32, #tpu.memory_space<hbm>> -> memref<128x22xi32, #tpu.memory_space<hbm>>
    tpu.enqueue_dma source(%dma_start3A_31 : memref<128x22xi32, #tpu.memory_space<hbm>>) target(%dma_start3A_29 : memref<128x22xi32, #tpu.memory_space<vmem>>) target_semaphore(%dma_start3A_26 : memref<!tpu.dma_semaphore, #tpu.memory_space<semaphore_mem>>)
    %add3A_32 = arith.constant 256 : i32
    %add3A_33 = arith.addi %mul3A_2, %add3A_32 : i32
    %dma_start3A_34 = arith.constant 2 : i32
    %dma_start3A_35 = arith.constant 256 : i32
    %dma_start3A_36 = arith.constant 0 : i32
    %dma_start3A_37 = tpu.memref_slice %arg5[%dma_start3A_35, %dma_start3A_36] : memref<512x22xi32, #tpu.memory_space<vmem>> -> memref<128x22xi32, #tpu.memory_space<vmem>>
    %dma_start3A_38 = arith.constant 0 : i32
    %dma_start3A_39 = tpu.memref_slice %arg2[%add3A_33, %dma_start3A_38] : memref<16384x22xi32, #tpu.memory_space<hbm>> -> memref<128x22xi32, #tpu.memory_space<hbm>>
    %dma_start3A_40 = tpu.memref_slice %arg9[%dma_start3A_34] : memref<4x!tpu.dma_semaphore, #tpu.memory_space<semaphore_mem>> -> memref<1x!tpu.dma_semaphore, #tpu.memory_space<semaphore_mem>>
    %dma_start3A_41 = tpu.memref_squeeze %dma_start3A_40 : memref<1x!tpu.dma_semaphore, #tpu.memory_space<semaphore_mem>> -> memref<!tpu.dma_semaphore, #tpu.memory_space<semaphore_mem>>
    %dma_start3A_42 = arith.constant 256 : i32
    %dma_start3A_43 = arith.constant 0 : i32
    %dma_start3A_44 = tpu.memref_slice %arg5[%dma_start3A_42, %dma_start3A_43] : memref<512x22xi32, #tpu.memory_space<vmem>> -> memref<128x22xi32, #tpu.memory_space<vmem>>
    %dma_start3A_45 = arith.constant 0 : i32
    %dma_start3A_46 = tpu.memref_slice %arg2[%add3A_33, %dma_start3A_45] : memref<16384x22xi32, #tpu.memory_space<hbm>> -> memref<128x22xi32, #tpu.memory_space<hbm>>
    tpu.enqueue_dma source(%dma_start3A_46 : memref<128x22xi32, #tpu.memory_space<hbm>>) target(%dma_start3A_44 : memref<128x22xi32, #tpu.memory_space<vmem>>) target_semaphore(%dma_start3A_41 : memref<!tpu.dma_semaphore, #tpu.memory_space<semaphore_mem>>)
    %add3A_47 = arith.constant 384 : i32
    %add3A_48 = arith.addi %mul3A_2, %add3A_47 : i32
    %dma_start3A_49 = arith.constant 3 : i32
    %dma_start3A_50 = arith.constant 384 : i32
    %dma_start3A_51 = arith.constant 0 : i32
    %dma_start3A_52 = tpu.memref_slice %arg5[%dma_start3A_50, %dma_start3A_51] : memref<512x22xi32, #tpu.memory_space<vmem>> -> memref<128x22xi32, #tpu.memory_space<vmem>>
    %dma_start3A_53 = arith.constant 0 : i32
    %dma_start3A_54 = tpu.memref_slice %arg2[%add3A_48, %dma_start3A_53] : memref<16384x22xi32, #tpu.memory_space<hbm>> -> memref<128x22xi32, #tpu.memory_space<hbm>>
    %dma_start3A_55 = tpu.memref_slice %arg9[%dma_start3A_49] : memref<4x!tpu.dma_semaphore, #tpu.memory_space<semaphore_mem>> -> memref<1x!tpu.dma_semaphore, #tpu.memory_space<semaphore_mem>>
    %dma_start3A_56 = tpu.memref_squeeze %dma_start3A_55 : memref<1x!tpu.dma_semaphore, #tpu.memory_space<semaphore_mem>> -> memref<!tpu.dma_semaphore, #tpu.memory_space<semaphore_mem>>
    %dma_start3A_57 = arith.constant 384 : i32
    %dma_start3A_58 = arith.constant 0 : i32
    %dma_start3A_59 = tpu.memref_slice %arg5[%dma_start3A_57, %dma_start3A_58] : memref<512x22xi32, #tpu.memory_space<vmem>> -> memref<128x22xi32, #tpu.memory_space<vmem>>
    %dma_start3A_60 = arith.constant 0 : i32
    %dma_start3A_61 = tpu.memref_slice %arg2[%add3A_48, %dma_start3A_60] : memref<16384x22xi32, #tpu.memory_space<hbm>> -> memref<128x22xi32, #tpu.memory_space<hbm>>
    tpu.enqueue_dma source(%dma_start3A_61 : memref<128x22xi32, #tpu.memory_space<hbm>>) target(%dma_start3A_59 : memref<128x22xi32, #tpu.memory_space<vmem>>) target_semaphore(%dma_start3A_56 : memref<!tpu.dma_semaphore, #tpu.memory_space<semaphore_mem>>)
    "tpu.region"() ({
      %run_scoped3A = tpu.sem_alloc : memref<!tpu.dma_semaphore, #tpu.memory_space<semaphore_mem>>
      tpu.enqueue_dma source(%arg3 : memref<352xf32, #tpu.memory_space<hbm>>) target(%arg6 : memref<352xf32, #tpu.memory_space<vmem>>) target_semaphore(%run_scoped3A : memref<!tpu.dma_semaphore, #tpu.memory_space<semaphore_mem>>)
      tpu.wait_dma2 semaphore(%run_scoped3A : memref<!tpu.dma_semaphore, #tpu.memory_space<semaphore_mem>>) src(%arg3 : memref<352xf32, #tpu.memory_space<hbm>>) dst(%arg6 : memref<352xf32, #tpu.memory_space<vmem>>)
      tpu.yield
    }) : () -> ()
    %iota3A = tpu.iota {dimensions = array<i32: 0>} : vector<16xi32>
    %broadcast_in_dim3A = arith.constant 0 : i32
    %broadcast_in_dim3A_62 = vector.broadcast %broadcast_in_dim3A : i32 to vector<16xi32>
    %mul3A_63 = arith.constant 2 : i32
    %mul3A_64 = vector.broadcast %mul3A_63 : i32 to vector<16xi32>
    %mul3A_65 = arith.muli %iota3A, %mul3A_64 : vector<16xi32>
    %add3A_66 = arith.constant 0 : i32
    %add3A_67 = vector.broadcast %add3A_66 : i32 to vector<16xi32>
    %add3A_68 = arith.addi %mul3A_65, %add3A_67 : vector<16xi32>
    %gather3A = tpu.vector_load_idx %arg6[%add3A_68] : memref<352xf32, #tpu.memory_space<vmem>>[vector<16xi32>], vector<16xf32>,
    %add3A_69 = arith.constant 1 : i32
    %add3A_70 = vector.broadcast %add3A_69 : i32 to vector<16xi32>
    %add3A_71 = arith.addi %mul3A_65, %add3A_70 : vector<16xi32>
    %gather3A_72 = tpu.vector_load_idx %arg6[%add3A_71] : memref<352xf32, #tpu.memory_space<vmem>>[vector<16xi32>], vector<16xf32>,
    %sub3A = arith.subf %gather3A_72, %gather3A : vector<16xf32>
    %swap3A = arith.constant 0 : index
    %swap3A_73 = tpu.vector_load %arg7[%swap3A] {strides = array<i32>} : memref<176xf32, #tpu.memory_space<vmem>>, vector<16xf32>,
    tpu.vector_store %arg7[%swap3A], %sub3A {strides = array<i32>} : memref<176xf32, #tpu.memory_space<vmem>>, vector<16xf32>,
    %add3A_74 = arith.constant 32 : i32
    %add3A_75 = vector.broadcast %add3A_74 : i32 to vector<16xi32>
    %add3A_76 = arith.addi %mul3A_65, %add3A_75 : vector<16xi32>
    %gather3A_77 = tpu.vector_load_idx %arg6[%add3A_76] : memref<352xf32, #tpu.memory_space<vmem>>[vector<16xi32>], vector<16xf32>,
    %add3A_78 = arith.constant 33 : i32
    %add3A_79 = vector.broadcast %add3A_78 : i32 to vector<16xi32>
    %add3A_80 = arith.addi %mul3A_65, %add3A_79 : vector<16xi32>
    %gather3A_81 = tpu.vector_load_idx %arg6[%add3A_80] : memref<352xf32, #tpu.memory_space<vmem>>[vector<16xi32>], vector<16xf32>,
    %sub3A_82 = arith.subf %gather3A_81, %gather3A_77 : vector<16xf32>
    %swap3A_83 = arith.constant 16 : index
    %swap3A_84 = tpu.vector_load %arg7[%swap3A_83] {strides = array<i32>} : memref<176xf32, #tpu.memory_space<vmem>>, vector<16xf32>,
    tpu.vector_store %arg7[%swap3A_83], %sub3A_82 {strides = array<i32>} : memref<176xf32, #tpu.memory_space<vmem>>, vector<16xf32>,
    %add3A_85 = arith.constant 64 : i32
    %add3A_86 = vector.broadcast %add3A_85 : i32 to vector<16xi32>
    %add3A_87 = arith.addi %mul3A_65, %add3A_86 : vector<16xi32>
    %gather3A_88 = tpu.vector_load_idx %arg6[%add3A_87] : memref<352xf32, #tpu.memory_space<vmem>>[vector<16xi32>], vector<16xf32>,
    %add3A_89 = arith.constant 65 : i32
    %add3A_90 = vector.broadcast %add3A_89 : i32 to vector<16xi32>
    %add3A_91 = arith.addi %mul3A_65, %add3A_90 : vector<16xi32>
    %gather3A_92 = tpu.vector_load_idx %arg6[%add3A_91] : memref<352xf32, #tpu.memory_space<vmem>>[vector<16xi32>], vector<16xf32>,
    %sub3A_93 = arith.subf %gather3A_92, %gather3A_88 : vector<16xf32>
    %swap3A_94 = arith.constant 32 : index
    %swap3A_95 = tpu.vector_load %arg7[%swap3A_94] {strides = array<i32>} : memref<176xf32, #tpu.memory_space<vmem>>, vector<16xf32>,
    tpu.vector_store %arg7[%swap3A_94], %sub3A_93 {strides = array<i32>} : memref<176xf32, #tpu.memory_space<vmem>>, vector<16xf32>,
    %add3A_96 = arith.constant 96 : i32
    %add3A_97 = vector.broadcast %add3A_96 : i32 to vector<16xi32>
    %add3A_98 = arith.addi %mul3A_65, %add3A_97 : vector<16xi32>
    %gather3A_99 = tpu.vector_load_idx %arg6[%add3A_98] : memref<352xf32, #tpu.memory_space<vmem>>[vector<16xi32>], vector<16xf32>,
    %add3A_100 = arith.constant 97 : i32
    %add3A_101 = vector.broadcast %add3A_100 : i32 to vector<16xi32>
    %add3A_102 = arith.addi %mul3A_65, %add3A_101 : vector<16xi32>
    %gather3A_103 = tpu.vector_load_idx %arg6[%add3A_102] : memref<352xf32, #tpu.memory_space<vmem>>[vector<16xi32>], vector<16xf32>,
    %sub3A_104 = arith.subf %gather3A_103, %gather3A_99 : vector<16xf32>
    %swap3A_105 = arith.constant 48 : index
    %swap3A_106 = tpu.vector_load %arg7[%swap3A_105] {strides = array<i32>} : memref<176xf32, #tpu.memory_space<vmem>>, vector<16xf32>,
    tpu.vector_store %arg7[%swap3A_105], %sub3A_104 {strides = array<i32>} : memref<176xf32, #tpu.memory_space<vmem>>, vector<16xf32>,
    %add3A_107 = arith.constant 128 : i32
    %add3A_108 = vector.broadcast %add3A_107 : i32 to vector<16xi32>
    %add3A_109 = arith.addi %mul3A_65, %add3A_108 : vector<16xi32>
    %gather3A_110 = tpu.vector_load_idx %arg6[%add3A_109] : memref<352xf32, #tpu.memory_space<vmem>>[vector<16xi32>], vector<16xf32>,
    %add3A_111 = arith.constant 129 : i32
    %add3A_112 = vector.broadcast %add3A_111 : i32 to vector<16xi32>
    %add3A_113 = arith.addi %mul3A_65, %add3A_112 : vector<16xi32>
    %gather3A_114 = tpu.vector_load_idx %arg6[%add3A_113] : memref<352xf32, #tpu.memory_space<vmem>>[vector<16xi32>], vector<16xf32>,
    %sub3A_115 = arith.subf %gather3A_114, %gather3A_110 : vector<16xf32>
    %swap3A_116 = arith.constant 64 : index
    %swap3A_117 = tpu.vector_load %arg7[%swap3A_116] {strides = array<i32>} : memref<176xf32, #tpu.memory_space<vmem>>, vector<16xf32>,
    tpu.vector_store %arg7[%swap3A_116], %sub3A_115 {strides = array<i32>} : memref<176xf32, #tpu.memory_space<vmem>>, vector<16xf32>,
    %add3A_118 = arith.constant 160 : i32
    %add3A_119 = vector.broadcast %add3A_118 : i32 to vector<16xi32>
    %add3A_120 = arith.addi %mul3A_65, %add3A_119 : vector<16xi32>
    %gather3A_121 = tpu.vector_load_idx %arg6[%add3A_120] : memref<352xf32, #tpu.memory_space<vmem>>[vector<16xi32>], vector<16xf32>,
    %add3A_122 = arith.constant 161 : i32
    %add3A_123 = vector.broadcast %add3A_122 : i32 to vector<16xi32>
    %add3A_124 = arith.addi %mul3A_65, %add3A_123 : vector<16xi32>
    %gather3A_125 = tpu.vector_load_idx %arg6[%add3A_124] : memref<352xf32, #tpu.memory_space<vmem>>[vector<16xi32>], vector<16xf32>,
    %sub3A_126 = arith.subf %gather3A_125, %gather3A_121 : vector<16xf32>
    %swap3A_127 = arith.constant 80 : index
    %swap3A_128 = tpu.vector_load %arg7[%swap3A_127] {strides = array<i32>} : memref<176xf32, #tpu.memory_space<vmem>>, vector<16xf32>,
    tpu.vector_store %arg7[%swap3A_127], %sub3A_126 {strides = array<i32>} : memref<176xf32, #tpu.memory_space<vmem>>, vector<16xf32>,
    %add3A_129 = arith.constant 192 : i32
    %add3A_130 = vector.broadcast %add3A_129 : i32 to vector<16xi32>
    %add3A_131 = arith.addi %mul3A_65, %add3A_130 : vector<16xi32>
    %gather3A_132 = tpu.vector_load_idx %arg6[%add3A_131] : memref<352xf32, #tpu.memory_space<vmem>>[vector<16xi32>], vector<16xf32>,
    %add3A_133 = arith.constant 193 : i32
    %add3A_134 = vector.broadcast %add3A_133 : i32 to vector<16xi32>
    %add3A_135 = arith.addi %mul3A_65, %add3A_134 : vector<16xi32>
    %gather3A_136 = tpu.vector_load_idx %arg6[%add3A_135] : memref<352xf32, #tpu.memory_space<vmem>>[vector<16xi32>], vector<16xf32>,
    %sub3A_137 = arith.subf %gather3A_136, %gather3A_132 : vector<16xf32>
    %swap3A_138 = arith.constant 96 : index
    %swap3A_139 = tpu.vector_load %arg7[%swap3A_138] {strides = array<i32>} : memref<176xf32, #tpu.memory_space<vmem>>, vector<16xf32>,
    tpu.vector_store %arg7[%swap3A_138], %sub3A_137 {strides = array<i32>} : memref<176xf32, #tpu.memory_space<vmem>>, vector<16xf32>,
    %add3A_140 = arith.constant 224 : i32
    %add3A_141 = vector.broadcast %add3A_140 : i32 to vector<16xi32>
    %add3A_142 = arith.addi %mul3A_65, %add3A_141 : vector<16xi32>
    %gather3A_143 = tpu.vector_load_idx %arg6[%add3A_142] : memref<352xf32, #tpu.memory_space<vmem>>[vector<16xi32>], vector<16xf32>,
    %add3A_144 = arith.constant 225 : i32
    %add3A_145 = vector.broadcast %add3A_144 : i32 to vector<16xi32>
    %add3A_146 = arith.addi %mul3A_65, %add3A_145 : vector<16xi32>
    %gather3A_147 = tpu.vector_load_idx %arg6[%add3A_146] : memref<352xf32, #tpu.memory_space<vmem>>[vector<16xi32>], vector<16xf32>,
    %sub3A_148 = arith.subf %gather3A_147, %gather3A_143 : vector<16xf32>
    %swap3A_149 = arith.constant 112 : index
    %swap3A_150 = tpu.vector_load %arg7[%swap3A_149] {strides = array<i32>} : memref<176xf32, #tpu.memory_space<vmem>>, vector<16xf32>,
    tpu.vector_store %arg7[%swap3A_149], %sub3A_148 {strides = array<i32>} : memref<176xf32, #tpu.memory_space<vmem>>, vector<16xf32>,
    %add3A_151 = arith.constant 256 : i32
    %add3A_152 = vector.broadcast %add3A_151 : i32 to vector<16xi32>
    %add3A_153 = arith.addi %mul3A_65, %add3A_152 : vector<16xi32>
    %gather3A_154 = tpu.vector_load_idx %arg6[%add3A_153] : memref<352xf32, #tpu.memory_space<vmem>>[vector<16xi32>], vector<16xf32>,
    %add3A_155 = arith.constant 257 : i32
    %add3A_156 = vector.broadcast %add3A_155 : i32 to vector<16xi32>
    %add3A_157 = arith.addi %mul3A_65, %add3A_156 : vector<16xi32>
    %gather3A_158 = tpu.vector_load_idx %arg6[%add3A_157] : memref<352xf32, #tpu.memory_space<vmem>>[vector<16xi32>], vector<16xf32>,
    %sub3A_159 = arith.subf %gather3A_158, %gather3A_154 : vector<16xf32>
    %swap3A_160 = arith.constant 128 : index
    %swap3A_161 = tpu.vector_load %arg7[%swap3A_160] {strides = array<i32>} : memref<176xf32, #tpu.memory_space<vmem>>, vector<16xf32>,
    tpu.vector_store %arg7[%swap3A_160], %sub3A_159 {strides = array<i32>} : memref<176xf32, #tpu.memory_space<vmem>>, vector<16xf32>,
    %add3A_162 = arith.constant 288 : i32
    %add3A_163 = vector.broadcast %add3A_162 : i32 to vector<16xi32>
    %add3A_164 = arith.addi %mul3A_65, %add3A_163 : vector<16xi32>
    %gather3A_165 = tpu.vector_load_idx %arg6[%add3A_164] : memref<352xf32, #tpu.memory_space<vmem>>[vector<16xi32>], vector<16xf32>,
    %add3A_166 = arith.constant 289 : i32
    %add3A_167 = vector.broadcast %add3A_166 : i32 to vector<16xi32>
    %add3A_168 = arith.addi %mul3A_65, %add3A_167 : vector<16xi32>
    %gather3A_169 = tpu.vector_load_idx %arg6[%add3A_168] : memref<352xf32, #tpu.memory_space<vmem>>[vector<16xi32>], vector<16xf32>,
    %sub3A_170 = arith.subf %gather3A_169, %gather3A_165 : vector<16xf32>
    %swap3A_171 = arith.constant 144 : index
    %swap3A_172 = tpu.vector_load %arg7[%swap3A_171] {strides = array<i32>} : memref<176xf32, #tpu.memory_space<vmem>>, vector<16xf32>,
    tpu.vector_store %arg7[%swap3A_171], %sub3A_170 {strides = array<i32>} : memref<176xf32, #tpu.memory_space<vmem>>, vector<16xf32>,
    %add3A_173 = arith.constant 320 : i32
    %add3A_174 = vector.broadcast %add3A_173 : i32 to vector<16xi32>
    %add3A_175 = arith.addi %mul3A_65, %add3A_174 : vector<16xi32>
    %gather3A_176 = tpu.vector_load_idx %arg6[%add3A_175] : memref<352xf32, #tpu.memory_space<vmem>>[vector<16xi32>], vector<16xf32>,
    %add3A_177 = arith.constant 321 : i32
    %add3A_178 = vector.broadcast %add3A_177 : i32 to vector<16xi32>
    %add3A_179 = arith.addi %mul3A_65, %add3A_178 : vector<16xi32>
    %gather3A_180 = tpu.vector_load_idx %arg6[%add3A_179] : memref<352xf32, #tpu.memory_space<vmem>>[vector<16xi32>], vector<16xf32>,
    %sub3A_181 = arith.subf %gather3A_180, %gather3A_176 : vector<16xf32>
    %swap3A_182 = arith.constant 160 : index
    %swap3A_183 = tpu.vector_load %arg7[%swap3A_182] {strides = array<i32>} : memref<176xf32, #tpu.memory_space<vmem>>, vector<16xf32>,
    tpu.vector_store %arg7[%swap3A_182], %sub3A_181 {strides = array<i32>} : memref<176xf32, #tpu.memory_space<vmem>>, vector<16xf32>,
    %add3A_184 = arith.constant 339 : i32
    %add3A_185 = vector.broadcast %add3A_184 : i32 to vector<16xi32>
    %add3A_186 = arith.addi %broadcast_in_dim3A_62, %add3A_185 : vector<16xi32>
    %gather3A_187 = tpu.vector_load_idx %arg6[%add3A_186] : memref<352xf32, #tpu.memory_space<vmem>>[vector<16xi32>], vector<16xf32>,
    %add3A_188 = arith.constant 338 : i32
    %add3A_189 = vector.broadcast %add3A_188 : i32 to vector<16xi32>
    %add3A_190 = arith.addi %broadcast_in_dim3A_62, %add3A_189 : vector<16xi32>
    %gather3A_191 = tpu.vector_load_idx %arg6[%add3A_190] : memref<352xf32, #tpu.memory_space<vmem>>[vector<16xi32>], vector<16xf32>,
    %sub3A_192 = arith.subf %gather3A_187, %gather3A_191 : vector<16xf32>
    %broadcast_in_dim3A_193 = arith.constant 1.000000e+00 : f32
    %broadcast_in_dim3A_194 = vector.broadcast %broadcast_in_dim3A_193 : f32 to vector<16xf32>
    %broadcast_in_dim3A_195 = arith.constant 0.000000e+00 : f32
    %broadcast_in_dim3A_196 = vector.broadcast %broadcast_in_dim3A_195 : f32 to vector<16xf32>
    %dma_wait3A = arith.constant 0 : i32
    %dma_wait3A_197 = arith.constant 0 : i32
    %dma_wait3A_198 = arith.constant 0 : i32
    %dma_wait3A_199 = tpu.memref_slice %arg5[%dma_wait3A_197, %dma_wait3A_198] : memref<512x22xi32, #tpu.memory_space<vmem>> -> memref<128x22xi32, #tpu.memory_space<vmem>>
    %dma_wait3A_200 = arith.constant 0 : i32
    %dma_wait3A_201 = tpu.memref_slice %arg2[%add3A_4, %dma_wait3A_200] : memref<16384x22xi32, #tpu.memory_space<hbm>> -> memref<128x22xi32, #tpu.memory_space<hbm>>
    %dma_wait3A_202 = tpu.memref_slice %arg9[%dma_wait3A] : memref<4x!tpu.dma_semaphore, #tpu.memory_space<semaphore_mem>> -> memref<1x!tpu.dma_semaphore, #tpu.memory_space<semaphore_mem>>
    %dma_wait3A_203 = tpu.memref_squeeze %dma_wait3A_202 : memref<1x!tpu.dma_semaphore, #tpu.memory_space<semaphore_mem>> -> memref<!tpu.dma_semaphore, #tpu.memory_space<semaphore_mem>>
    %dma_wait3A_204 = arith.constant 0 : i32
    %dma_wait3A_205 = arith.constant 0 : i32
    %dma_wait3A_206 = tpu.memref_slice %arg5[%dma_wait3A_204, %dma_wait3A_205] : memref<512x22xi32, #tpu.memory_space<vmem>> -> memref<128x22xi32, #tpu.memory_space<vmem>>
    %dma_wait3A_207 = arith.constant 0 : i32
    %dma_wait3A_208 = tpu.memref_slice %arg2[%add3A_4, %dma_wait3A_207] : memref<16384x22xi32, #tpu.memory_space<hbm>> -> memref<128x22xi32, #tpu.memory_space<hbm>>
    tpu.wait_dma2 semaphore(%dma_wait3A_203 : memref<!tpu.dma_semaphore, #tpu.memory_space<semaphore_mem>>) src(%dma_wait3A_208 : memref<128x22xi32, #tpu.memory_space<hbm>>) dst(%dma_wait3A_206 : memref<128x22xi32, #tpu.memory_space<vmem>>)
    %scan3A = arith.constant 0 : i32
    %scan3A_209 = arith.constant 0 : i32
    %scan3A_210 = arith.constant 8 : i32
    %scan3A_211 = arith.addi %scan3A_209, %scan3A_210 : i32
    %scan3A_212 = arith.constant 1 : i32
    scf.for %scan3A_271 = %scan3A_209 to %scan3A_211 step %scan3A_212  : i32 {
      %mul3A_272 = arith.constant 16 : i32
      %mul3A_273 = arith.muli %scan3A_271, %mul3A_272 : i32
      %add3A_274 = vector.broadcast %mul3A_273 : i32 to vector<16xi32>
      %add3A_275 = arith.addi %iota3A, %add3A_274 : vector<16xi32>
      %add3A_276 = arith.constant 0 : i32
      %add3A_277 = vector.broadcast %add3A_276 : i32 to vector<16xi32>
      %add3A_278 = arith.addi %broadcast_in_dim3A_62, %add3A_277 : vector<16xi32>
      %gather3A_279 = tpu.vector_load_idx %arg5[%add3A_275, %add3A_278] : memref<512x22xi32, #tpu.memory_space<vmem>>[vector<16xi32>, vector<16xi32>], vector<16xi32>,
      %add3A_280 = arith.constant 0 : i32
      %add3A_281 = vector.broadcast %add3A_280 : i32 to vector<16xi32>
      %add3A_282 = arith.addi %gather3A_279, %add3A_281 : vector<16xi32>
      %gather3A_283 = tpu.vector_load_idx %arg7[%add3A_282] : memref<176xf32, #tpu.memory_space<vmem>>[vector<16xi32>], vector<16xf32>,
      %add3A_284 = arith.addf %sub3A_192, %gather3A_283 : vector<16xf32>
      %add3A_285 = arith.constant 1 : i32
      %add3A_286 = vector.broadcast %add3A_285 : i32 to vector<16xi32>
      %add3A_287 = arith.addi %broadcast_in_dim3A_62, %add3A_286 : vector<16xi32>
      %gather3A_288 = tpu.vector_load_idx %arg5[%add3A_275, %add3A_287] : memref<512x22xi32, #tpu.memory_space<vmem>>[vector<16xi32>, vector<16xi32>], vector<16xi32>,
      %add3A_289 = arith.constant 7 : i32
      %add3A_290 = vector.broadcast %add3A_289 : i32 to vector<16xi32>
      %add3A_291 = arith.addi %gather3A_288, %add3A_290 : vector<16xi32>
      %gather3A_292 = tpu.vector_load_idx %arg7[%add3A_291] : memref<176xf32, #tpu.memory_space<vmem>>[vector<16xi32>], vector<16xf32>,
      %add3A_293 = arith.addf %broadcast_in_dim3A_196, %gather3A_292 : vector<16xf32>
      %add3A_294 = arith.constant 2 : i32
      %add3A_295 = vector.broadcast %add3A_294 : i32 to vector<16xi32>
      %add3A_296 = arith.addi %broadcast_in_dim3A_62, %add3A_295 : vector<16xi32>
      %gather3A_297 = tpu.vector_load_idx %arg5[%add3A_275, %add3A_296] : memref<512x22xi32, #tpu.memory_space<vmem>>[vector<16xi32>, vector<16xi32>], vector<16xi32>,
      %add3A_298 = arith.constant 13 : i32
      %add3A_299 = vector.broadcast %add3A_298 : i32 to vector<16xi32>
      %add3A_300 = arith.addi %gather3A_297, %add3A_299 : vector<16xi32>
      %gather3A_301 = tpu.vector_load_idx %arg7[%add3A_300] : memref<176xf32, #tpu.memory_space<vmem>>[vector<16xi32>], vector<16xf32>,
      %add3A_302 = arith.addf %add3A_284, %gather3A_301 : vector<16xf32>
      %add3A_303 = arith.constant 3 : i32
      %add3A_304 = vector.broadcast %add3A_303 : i32 to vector<16xi32>
      %add3A_305 = arith.addi %broadcast_in_dim3A_62, %add3A_304 : vector<16xi32>
      %gather3A_306 = tpu.vector_load_idx %arg5[%add3A_275, %add3A_305] : memref<512x22xi32, #tpu.memory_space<vmem>>[vector<16xi32>, vector<16xi32>], vector<16xi32>,
      %add3A_307 = arith.constant 25 : i32
      %add3A_308 = vector.broadcast %add3A_307 : i32 to vector<16xi32>
      %add3A_309 = arith.addi %gather3A_306, %add3A_308 : vector<16xi32>
      %gather3A_310 = tpu.vector_load_idx %arg7[%add3A_309] : memref<176xf32, #tpu.memory_space<vmem>>[vector<16xi32>], vector<16xf32>,
      %add3A_311 = arith.addf %add3A_293, %gather3A_310 : vector<16xf32>
      %add3A_312 = arith.constant 4 : i32
      %add3A_313 = vector.broadcast %add3A_312 : i32 to vector<16xi32>
      %add3A_314 = arith.addi %broadcast_in_dim3A_62, %add3A_313 : vector<16xi32>
      %gather3A_315 = tpu.vector_load_idx %arg5[%add3A_275, %add3A_314] : memref<512x22xi32, #tpu.memory_space<vmem>>[vector<16xi32>, vector<16xi32>], vector<16xi32>,
      %add3A_316 = arith.constant 29 : i32
      %add3A_317 = vector.broadcast %add3A_316 : i32 to vector<16xi32>
      %add3A_318 = arith.addi %gather3A_315, %add3A_317 : vector<16xi32>
      %gather3A_319 = tpu.vector_load_idx %arg7[%add3A_318] : memref<176xf32, #tpu.memory_space<vmem>>[vector<16xi32>], vector<16xf32>,
      %add3A_320 = arith.addf %add3A_302, %gather3A_319 : vector<16xf32>
      %add3A_321 = arith.constant 5 : i32
      %add3A_322 = vector.broadcast %add3A_321 : i32 to vector<16xi32>
      %add3A_323 = arith.addi %broadcast_in_dim3A_62, %add3A_322 : vector<16xi32>
      %gather3A_324 = tpu.vector_load_idx %arg5[%add3A_275, %add3A_323] : memref<512x22xi32, #tpu.memory_space<vmem>>[vector<16xi32>, vector<16xi32>], vector<16xi32>,
      %add3A_325 = arith.constant 40 : i32
      %add3A_326 = vector.broadcast %add3A_325 : i32 to vector<16xi32>
      %add3A_327 = arith.addi %gather3A_324, %add3A_326 : vector<16xi32>
      %gather3A_328 = tpu.vector_load_idx %arg7[%add3A_327] : memref<176xf32, #tpu.memory_space<vmem>>[vector<16xi32>], vector<16xf32>,
      %add3A_329 = arith.addf %add3A_311, %gather3A_328 : vector<16xf32>
      %add3A_330 = arith.constant 6 : i32
      %add3A_331 = vector.broadcast %add3A_330 : i32 to vector<16xi32>
      %add3A_332 = arith.addi %broadcast_in_dim3A_62, %add3A_331 : vector<16xi32>
      %gather3A_333 = tpu.vector_load_idx %arg5[%add3A_275, %add3A_332] : memref<512x22xi32, #tpu.memory_space<vmem>>[vector<16xi32>, vector<16xi32>], vector<16xi32>,
      %add3A_334 = arith.constant 46 : i32
      %add3A_335 = vector.broadcast %add3A_334 : i32 to vector<16xi32>
      %add3A_336 = arith.addi %gather3A_333, %add3A_335 : vector<16xi32>
      %gather3A_337 = tpu.vector_load_idx %arg7[%add3A_336] : memref<176xf32, #tpu.memory_space<vmem>>[vector<16xi32>], vector<16xf32>,
      %add3A_338 = arith.addf %add3A_320, %gather3A_337 : vector<16xf32>
      %add3A_339 = arith.constant 7 : i32
      %add3A_340 = vector.broadcast %add3A_339 : i32 to vector<16xi32>
      %add3A_341 = arith.addi %broadcast_in_dim3A_62, %add3A_340 : vector<16xi32>
      %gather3A_342 = tpu.vector_load_idx %arg5[%add3A_275, %add3A_341] : memref<512x22xi32, #tpu.memory_space<vmem>>[vector<16xi32>, vector<16xi32>], vector<16xi32>,
      %add3A_343 = arith.constant 51 : i32
      %add3A_344 = vector.broadcast %add3A_343 : i32 to vector<16xi32>
      %add3A_345 = arith.addi %gather3A_342, %add3A_344 : vector<16xi32>
      %gather3A_346 = tpu.vector_load_idx %arg7[%add3A_345] : memref<176xf32, #tpu.memory_space<vmem>>[vector<16xi32>], vector<16xf32>,
      %add3A_347 = arith.addf %add3A_329, %gather3A_346 : vector<16xf32>
      %add3A_348 = arith.constant 8 : i32
      %add3A_349 = vector.broadcast %add3A_348 : i32 to vector<16xi32>
      %add3A_350 = arith.addi %broadcast_in_dim3A_62, %add3A_349 : vector<16xi32>
      %gather3A_351 = tpu.vector_load_idx %arg5[%add3A_275, %add3A_350] : memref<512x22xi32, #tpu.memory_space<vmem>>[vector<16xi32>, vector<16xi32>], vector<16xi32>,
      %add3A_352 = arith.constant 55 : i32
      %add3A_353 = vector.broadcast %add3A_352 : i32 to vector<16xi32>
      %add3A_354 = arith.addi %gather3A_351, %add3A_353 : vector<16xi32>
      %gather3A_355 = tpu.vector_load_idx %arg7[%add3A_354] : memref<176xf32, #tpu.memory_space<vmem>>[vector<16xi32>], vector<16xf32>,
      %add3A_356 = arith.addf %add3A_338, %gather3A_355 : vector<16xf32>
      %add3A_357 = arith.constant 9 : i32
      %add3A_358 = vector.broadcast %add3A_357 : i32 to vector<16xi32>
      %add3A_359 = arith.addi %broadcast_in_dim3A_62, %add3A_358 : vector<16xi32>
      %gather3A_360 = tpu.vector_load_idx %arg5[%add3A_275, %add3A_359] : memref<512x22xi32, #tpu.memory_space<vmem>>[vector<16xi32>, vector<16xi32>], vector<16xi32>,
      %add3A_361 = arith.constant 69 : i32
      %add3A_362 = vector.broadcast %add3A_361 : i32 to vector<16xi32>
      %add3A_363 = arith.addi %gather3A_360, %add3A_362 : vector<16xi32>
      %gather3A_364 = tpu.vector_load_idx %arg7[%add3A_363] : memref<176xf32, #tpu.memory_space<vmem>>[vector<16xi32>], vector<16xf32>,
      %add3A_365 = arith.addf %add3A_347, %gather3A_364 : vector<16xf32>
      %add3A_366 = arith.constant 10 : i32
      %add3A_367 = vector.broadcast %add3A_366 : i32 to vector<16xi32>
      %add3A_368 = arith.addi %broadcast_in_dim3A_62, %add3A_367 : vector<16xi32>
      %gather3A_369 = tpu.vector_load_idx %arg5[%add3A_275, %add3A_368] : memref<512x22xi32, #tpu.memory_space<vmem>>[vector<16xi32>, vector<16xi32>], vector<16xi32>,
      %add3A_370 = arith.constant 73 : i32
      %add3A_371 = vector.broadcast %add3A_370 : i32 to vector<16xi32>
      %add3A_372 = arith.addi %gather3A_369, %add3A_371 : vector<16xi32>
      %gather3A_373 = tpu.vector_load_idx %arg7[%add3A_372] : memref<176xf32, #tpu.memory_space<vmem>>[vector<16xi32>], vector<16xf32>,
      %add3A_374 = arith.addf %add3A_356, %gather3A_373 : vector<16xf32>
      %add3A_375 = arith.constant 11 : i32
      %add3A_376 = vector.broadcast %add3A_375 : i32 to vector<16xi32>
      %add3A_377 = arith.addi %broadcast_in_dim3A_62, %add3A_376 : vector<16xi32>
      %gather3A_378 = tpu.vector_load_idx %arg5[%add3A_275, %add3A_377] : memref<512x22xi32, #tpu.memory_space<vmem>>[vector<16xi32>, vector<16xi32>], vector<16xi32>,
      %add3A_379 = arith.constant 82 : i32
      %add3A_380 = vector.broadcast %add3A_379 : i32 to vector<16xi32>
      %add3A_381 = arith.addi %gather3A_378, %add3A_380 : vector<16xi32>
      %gather3A_382 = tpu.vector_load_idx %arg7[%add3A_381] : memref<176xf32, #tpu.memory_space<vmem>>[vector<16xi32>], vector<16xf32>,
      %add3A_383 = arith.addf %add3A_365, %gather3A_382 : vector<16xf32>
      %add3A_384 = arith.constant 12 : i32
      %add3A_385 = vector.broadcast %add3A_384 : i32 to vector<16xi32>
      %add3A_386 = arith.addi %broadcast_in_dim3A_62, %add3A_385 : vector<16xi32>
      %gather3A_387 = tpu.vector_load_idx %arg5[%add3A_275, %add3A_386] : memref<512x22xi32, #tpu.memory_space<vmem>>[vector<16xi32>, vector<16xi32>], vector<16xi32>,
      %add3A_388 = arith.constant 88 : i32
      %add3A_389 = vector.broadcast %add3A_388 : i32 to vector<16xi32>
      %add3A_390 = arith.addi %gather3A_387, %add3A_389 : vector<16xi32>
      %gather3A_391 = tpu.vector_load_idx %arg7[%add3A_390] : memref<176xf32, #tpu.memory_space<vmem>>[vector<16xi32>], vector<16xf32>,
      %add3A_392 = arith.addf %add3A_374, %gather3A_391 : vector<16xf32>
      %add3A_393 = arith.constant 13 : i32
      %add3A_394 = vector.broadcast %add3A_393 : i32 to vector<16xi32>
      %add3A_395 = arith.addi %broadcast_in_dim3A_62, %add3A_394 : vector<16xi32>
      %gather3A_396 = tpu.vector_load_idx %arg5[%add3A_275, %add3A_395] : memref<512x22xi32, #tpu.memory_space<vmem>>[vector<16xi32>, vector<16xi32>], vector<16xi32>,
      %add3A_397 = arith.constant 94 : i32
      %add3A_398 = vector.broadcast %add3A_397 : i32 to vector<16xi32>
      %add3A_399 = arith.addi %gather3A_396, %add3A_398 : vector<16xi32>
      %gather3A_400 = tpu.vector_load_idx %arg7[%add3A_399] : memref<176xf32, #tpu.memory_space<vmem>>[vector<16xi32>], vector<16xf32>,
      %add3A_401 = arith.addf %add3A_383, %gather3A_400 : vector<16xf32>
      %add3A_402 = arith.constant 14 : i32
      %add3A_403 = vector.broadcast %add3A_402 : i32 to vector<16xi32>
      %add3A_404 = arith.addi %broadcast_in_dim3A_62, %add3A_403 : vector<16xi32>
      %gather3A_405 = tpu.vector_load_idx %arg5[%add3A_275, %add3A_404] : memref<512x22xi32, #tpu.memory_space<vmem>>[vector<16xi32>, vector<16xi32>], vector<16xi32>,
      %add3A_406 = arith.constant 105 : i32
      %add3A_407 = vector.broadcast %add3A_406 : i32 to vector<16xi32>
      %add3A_408 = arith.addi %gather3A_405, %add3A_407 : vector<16xi32>
      %gather3A_409 = tpu.vector_load_idx %arg7[%add3A_408] : memref<176xf32, #tpu.memory_space<vmem>>[vector<16xi32>], vector<16xf32>,
      %add3A_410 = arith.addf %add3A_392, %gather3A_409 : vector<16xf32>
      %add3A_411 = arith.constant 15 : i32
      %add3A_412 = vector.broadcast %add3A_411 : i32 to vector<16xi32>
      %add3A_413 = arith.addi %broadcast_in_dim3A_62, %add3A_412 : vector<16xi32>
      %gather3A_414 = tpu.vector_load_idx %arg5[%add3A_275, %add3A_413] : memref<512x22xi32, #tpu.memory_space<vmem>>[vector<16xi32>, vector<16xi32>], vector<16xi32>,
      %add3A_415 = arith.constant 116 : i32
      %add3A_416 = vector.broadcast %add3A_415 : i32 to vector<16xi32>
      %add3A_417 = arith.addi %gather3A_414, %add3A_416 : vector<16xi32>
      %gather3A_418 = tpu.vector_load_idx %arg7[%add3A_417] : memref<176xf32, #tpu.memory_space<vmem>>[vector<16xi32>], vector<16xf32>,
      %add3A_419 = arith.addf %add3A_401, %gather3A_418 : vector<16xf32>
      %add3A_420 = arith.constant 16 : i32
      %add3A_421 = vector.broadcast %add3A_420 : i32 to vector<16xi32>
      %add3A_422 = arith.addi %broadcast_in_dim3A_62, %add3A_421 : vector<16xi32>
      %gather3A_423 = tpu.vector_load_idx %arg5[%add3A_275, %add3A_422] : memref<512x22xi32, #tpu.memory_space<vmem>>[vector<16xi32>, vector<16xi32>], vector<16xi32>,
      %add3A_424 = arith.constant 120 : i32
      %add3A_425 = vector.broadcast %add3A_424 : i32 to vector<16xi32>
      %add3A_426 = arith.addi %gather3A_423, %add3A_425 : vector<16xi32>
      %gather3A_427 = tpu.vector_load_idx %arg7[%add3A_426] : memref<176xf32, #tpu.memory_space<vmem>>[vector<16xi32>], vector<16xf32>,
      %add3A_428 = arith.addf %add3A_410, %gather3A_427 : vector<16xf32>
      %add3A_429 = arith.constant 17 : i32
      %add3A_430 = vector.broadcast %add3A_429 : i32 to vector<16xi32>
      %add3A_431 = arith.addi %broadcast_in_dim3A_62, %add3A_430 : vector<16xi32>
      %gather3A_432 = tpu.vector_load_idx %arg5[%add3A_275, %add3A_431] : memref<512x22xi32, #tpu.memory_space<vmem>>[vector<16xi32>, vector<16xi32>], vector<16xi32>,
      %add3A_433 = arith.constant 126 : i32
      %add3A_434 = vector.broadcast %add3A_433 : i32 to vector<16xi32>
      %add3A_435 = arith.addi %gather3A_432, %add3A_434 : vector<16xi32>
      %gather3A_436 = tpu.vector_load_idx %arg7[%add3A_435] : memref<176xf32, #tpu.memory_space<vmem>>[vector<16xi32>], vector<16xf32>,
      %add3A_437 = arith.addf %add3A_419, %gather3A_436 : vector<16xf32>
      %add3A_438 = arith.constant 18 : i32
      %add3A_439 = vector.broadcast %add3A_438 : i32 to vector<16xi32>
      %add3A_440 = arith.addi %broadcast_in_dim3A_62, %add3A_439 : vector<16xi32>
      %gather3A_441 = tpu.vector_load_idx %arg5[%add3A_275, %add3A_440] : memref<512x22xi32, #tpu.memory_space<vmem>>[vector<16xi32>, vector<16xi32>], vector<16xi32>,
      %add3A_442 = arith.constant 131 : i32
      %add3A_443 = vector.broadcast %add3A_442 : i32 to vector<16xi32>
      %add3A_444 = arith.addi %gather3A_441, %add3A_443 : vector<16xi32>
      %gather3A_445 = tpu.vector_load_idx %arg7[%add3A_444] : memref<176xf32, #tpu.memory_space<vmem>>[vector<16xi32>], vector<16xf32>,
      %add3A_446 = arith.addf %add3A_428, %gather3A_445 : vector<16xf32>
      %add3A_447 = arith.constant 19 : i32
      %add3A_448 = vector.broadcast %add3A_447 : i32 to vector<16xi32>
      %add3A_449 = arith.addi %broadcast_in_dim3A_62, %add3A_448 : vector<16xi32>
      %gather3A_450 = tpu.vector_load_idx %arg5[%add3A_275, %add3A_449] : memref<512x22xi32, #tpu.memory_space<vmem>>[vector<16xi32>, vector<16xi32>], vector<16xi32>,
      %add3A_451 = arith.constant 141 : i32
      %add3A_452 = vector.broadcast %add3A_451 : i32 to vector<16xi32>
      %add3A_453 = arith.addi %gather3A_450, %add3A_452 : vector<16xi32>
      %gather3A_454 = tpu.vector_load_idx %arg7[%add3A_453] : memref<176xf32, #tpu.memory_space<vmem>>[vector<16xi32>], vector<16xf32>,
      %add3A_455 = arith.addf %add3A_437, %gather3A_454 : vector<16xf32>
      %add3A_456 = arith.constant 20 : i32
      %add3A_457 = vector.broadcast %add3A_456 : i32 to vector<16xi32>
      %add3A_458 = arith.addi %broadcast_in_dim3A_62, %add3A_457 : vector<16xi32>
      %gather3A_459 = tpu.vector_load_idx %arg5[%add3A_275, %add3A_458] : memref<512x22xi32, #tpu.memory_space<vmem>>[vector<16xi32>, vector<16xi32>], vector<16xi32>,
      %add3A_460 = arith.constant 152 : i32
      %add3A_461 = vector.broadcast %add3A_460 : i32 to vector<16xi32>
      %add3A_462 = arith.addi %gather3A_459, %add3A_461 : vector<16xi32>
      %gather3A_463 = tpu.vector_load_idx %arg7[%add3A_462] : memref<176xf32, #tpu.memory_space<vmem>>[vector<16xi32>], vector<16xf32>,
      %add3A_464 = arith.addf %add3A_446, %gather3A_463 : vector<16xf32>
      %add3A_465 = arith.constant 21 : i32
      %add3A_466 = vector.broadcast %add3A_465 : i32 to vector<16xi32>
      %add3A_467 = arith.addi %broadcast_in_dim3A_62, %add3A_466 : vector<16xi32>
      %gather3A_468 = tpu.vector_load_idx %arg5[%add3A_275, %add3A_467] : memref<512x22xi32, #tpu.memory_space<vmem>>[vector<16xi32>, vector<16xi32>], vector<16xi32>,
      %add3A_469 = arith.constant 160 : i32
      %add3A_470 = vector.broadcast %add3A_469 : i32 to vector<16xi32>
      %add3A_471 = arith.addi %gather3A_468, %add3A_470 : vector<16xi32>
      %gather3A_472 = tpu.vector_load_idx %arg7[%add3A_471] : memref<176xf32, #tpu.memory_space<vmem>>[vector<16xi32>], vector<16xf32>,
      %add3A_473 = arith.addf %add3A_455, %gather3A_472 : vector<16xf32>
      %add3A_474 = arith.addf %add3A_464, %add3A_473 : vector<16xf32>
      %abs3A = math.absf %add3A_474 : vector<16xf32>
      %sub3A_475 = arith.subf %broadcast_in_dim3A_196, %abs3A : vector<16xf32>
      %exp3A = math.exp %sub3A_475 : vector<16xf32>
      %add3A_476 = arith.addf %broadcast_in_dim3A_194, %exp3A : vector<16xf32>
      %div3A = arith.divf %broadcast_in_dim3A_194, %add3A_476 : vector<16xf32>
      %sub3A_477 = arith.subf %broadcast_in_dim3A_194, %div3A : vector<16xf32>
      %gt3A = arith.cmpf ogt, %add3A_474, %broadcast_in_dim3A_196 : vector<16xf32>
      %select_n3A = arith.select %gt3A, %sub3A_477, %div3A : vector<16xi1>, vector<16xf32>
      %select_n3A_478 = arith.select %gt3A, %div3A, %sub3A_477 : vector<16xi1>, vector<16xf32>
      tpu.vector_store_idx %arg8[%add3A_275, %broadcast_in_dim3A_62], %select_n3A : memref<512x2xf32, #tpu.memory_space<vmem>>[vector<16xi32>, vector<16xi32>], vector<16xf32>,
      %add3A_479 = arith.constant 1 : i32
      %add3A_480 = vector.broadcast %add3A_479 : i32 to vector<16xi32>
      %add3A_481 = arith.addi %broadcast_in_dim3A_62, %add3A_480 : vector<16xi32>
      tpu.vector_store_idx %arg8[%add3A_275, %add3A_481], %select_n3A_478 : memref<512x2xf32, #tpu.memory_space<vmem>>[vector<16xi32>, vector<16xi32>], vector<16xf32>,
    }
    %scan3A_213 = arith.constant 8 : i32
    %dma_wait3A_214 = arith.constant 1 : i32
    %dma_wait3A_215 = arith.constant 128 : i32
    %dma_wait3A_216 = arith.constant 0 : i32
    %dma_wait3A_217 = tpu.memref_slice %arg5[%dma_wait3A_215, %dma_wait3A_216] : memref<512x22xi32, #tpu.memory_space<vmem>> -> memref<128x22xi32, #tpu.memory_space<vmem>>
    %dma_wait3A_218 = arith.constant 0 : i32
    %dma_wait3A_219 = tpu.memref_slice %arg2[%add3A_18, %dma_wait3A_218] : memref<16384x22xi32, #tpu.memory_space<hbm>> -> memref<128x22xi32, #tpu.memory_space<hbm>>
    %dma_wait3A_220 = tpu.memref_slice %arg9[%dma_wait3A_214] : memref<4x!tpu.dma_semaphore, #tpu.memory_space<semaphore_mem>> -> memref<1x!tpu.dma_semaphore, #tpu.memory_space<semaphore_mem>>
    %dma_wait3A_221 = tpu.memref_squeeze %dma_wait3A_220 : memref<1x!tpu.dma_semaphore, #tpu.memory_space<semaphore_mem>> -> memref<!tpu.dma_semaphore, #tpu.memory_space<semaphore_mem>>
    %dma_wait3A_222 = arith.constant 128 : i32
    %dma_wait3A_223 = arith.constant 0 : i32
    %dma_wait3A_224 = tpu.memref_slice %arg5[%dma_wait3A_222, %dma_wait3A_223] : memref<512x22xi32, #tpu.memory_space<vmem>> -> memref<128x22xi32, #tpu.memory_space<vmem>>
    %dma_wait3A_225 = arith.constant 0 : i32
    %dma_wait3A_226 = tpu.memref_slice %arg2[%add3A_18, %dma_wait3A_225] : memref<16384x22xi32, #tpu.memory_space<hbm>> -> memref<128x22xi32, #tpu.memory_space<hbm>>
    tpu.wait_dma2 semaphore(%dma_wait3A_221 : memref<!tpu.dma_semaphore, #tpu.memory_space<semaphore_mem>>) src(%dma_wait3A_226 : memref<128x22xi32, #tpu.memory_space<hbm>>) dst(%dma_wait3A_224 : memref<128x22xi32, #tpu.memory_space<vmem>>)
    %scan3A_227 = arith.constant 0 : i32
    %scan3A_228 = arith.constant 8 : i32
    %scan3A_229 = arith.constant 8 : i32
    %scan3A_230 = arith.addi %scan3A_228, %scan3A_229 : i32
    %scan3A_231 = arith.constant 1 : i32
    scf.for %scan3A_271 = %scan3A_228 to %scan3A_230 step %scan3A_231  : i32 {
      %mul3A_272 = arith.constant 16 : i32
      %mul3A_273 = arith.muli %scan3A_271, %mul3A_272 : i32
      %add3A_274 = vector.broadcast %mul3A_273 : i32 to vector<16xi32>
      %add3A_275 = arith.addi %iota3A, %add3A_274 : vector<16xi32>
      %add3A_276 = arith.constant 0 : i32
      %add3A_277 = vector.broadcast %add3A_276 : i32 to vector<16xi32>
      %add3A_278 = arith.addi %broadcast_in_dim3A_62, %add3A_277 : vector<16xi32>
      %gather3A_279 = tpu.vector_load_idx %arg5[%add3A_275, %add3A_278] : memref<512x22xi32, #tpu.memory_space<vmem>>[vector<16xi32>, vector<16xi32>], vector<16xi32>,
      %add3A_280 = arith.constant 0 : i32
      %add3A_281 = vector.broadcast %add3A_280 : i32 to vector<16xi32>
      %add3A_282 = arith.addi %gather3A_279, %add3A_281 : vector<16xi32>
      %gather3A_283 = tpu.vector_load_idx %arg7[%add3A_282] : memref<176xf32, #tpu.memory_space<vmem>>[vector<16xi32>], vector<16xf32>,
      %add3A_284 = arith.addf %sub3A_192, %gather3A_283 : vector<16xf32>
      %add3A_285 = arith.constant 1 : i32
      %add3A_286 = vector.broadcast %add3A_285 : i32 to vector<16xi32>
      %add3A_287 = arith.addi %broadcast_in_dim3A_62, %add3A_286 : vector<16xi32>
      %gather3A_288 = tpu.vector_load_idx %arg5[%add3A_275, %add3A_287] : memref<512x22xi32, #tpu.memory_space<vmem>>[vector<16xi32>, vector<16xi32>], vector<16xi32>,
      %add3A_289 = arith.constant 7 : i32
      %add3A_290 = vector.broadcast %add3A_289 : i32 to vector<16xi32>
      %add3A_291 = arith.addi %gather3A_288, %add3A_290 : vector<16xi32>
      %gather3A_292 = tpu.vector_load_idx %arg7[%add3A_291] : memref<176xf32, #tpu.memory_space<vmem>>[vector<16xi32>], vector<16xf32>,
      %add3A_293 = arith.addf %broadcast_in_dim3A_196, %gather3A_292 : vector<16xf32>
      %add3A_294 = arith.constant 2 : i32
      %add3A_295 = vector.broadcast %add3A_294 : i32 to vector<16xi32>
      %add3A_296 = arith.addi %broadcast_in_dim3A_62, %add3A_295 : vector<16xi32>
      %gather3A_297 = tpu.vector_load_idx %arg5[%add3A_275, %add3A_296] : memref<512x22xi32, #tpu.memory_space<vmem>>[vector<16xi32>, vector<16xi32>], vector<16xi32>,
      %add3A_298 = arith.constant 13 : i32
      %add3A_299 = vector.broadcast %add3A_298 : i32 to vector<16xi32>
      %add3A_300 = arith.addi %gather3A_297, %add3A_299 : vector<16xi32>
      %gather3A_301 = tpu.vector_load_idx %arg7[%add3A_300] : memref<176xf32, #tpu.memory_space<vmem>>[vector<16xi32>], vector<16xf32>,
      %add3A_302 = arith.addf %add3A_284, %gather3A_301 : vector<16xf32>
      %add3A_303 = arith.constant 3 : i32
      %add3A_304 = vector.broadcast %add3A_303 : i32 to vector<16xi32>
      %add3A_305 = arith.addi %broadcast_in_dim3A_62, %add3A_304 : vector<16xi32>
      %gather3A_306 = tpu.vector_load_idx %arg5[%add3A_275, %add3A_305] : memref<512x22xi32, #tpu.memory_space<vmem>>[vector<16xi32>, vector<16xi32>], vector<16xi32>,
      %add3A_307 = arith.constant 25 : i32
      %add3A_308 = vector.broadcast %add3A_307 : i32 to vector<16xi32>
      %add3A_309 = arith.addi %gather3A_306, %add3A_308 : vector<16xi32>
      %gather3A_310 = tpu.vector_load_idx %arg7[%add3A_309] : memref<176xf32, #tpu.memory_space<vmem>>[vector<16xi32>], vector<16xf32>,
      %add3A_311 = arith.addf %add3A_293, %gather3A_310 : vector<16xf32>
      %add3A_312 = arith.constant 4 : i32
      %add3A_313 = vector.broadcast %add3A_312 : i32 to vector<16xi32>
      %add3A_314 = arith.addi %broadcast_in_dim3A_62, %add3A_313 : vector<16xi32>
      %gather3A_315 = tpu.vector_load_idx %arg5[%add3A_275, %add3A_314] : memref<512x22xi32, #tpu.memory_space<vmem>>[vector<16xi32>, vector<16xi32>], vector<16xi32>,
      %add3A_316 = arith.constant 29 : i32
      %add3A_317 = vector.broadcast %add3A_316 : i32 to vector<16xi32>
      %add3A_318 = arith.addi %gather3A_315, %add3A_317 : vector<16xi32>
      %gather3A_319 = tpu.vector_load_idx %arg7[%add3A_318] : memref<176xf32, #tpu.memory_space<vmem>>[vector<16xi32>], vector<16xf32>,
      %add3A_320 = arith.addf %add3A_302, %gather3A_319 : vector<16xf32>
      %add3A_321 = arith.constant 5 : i32
      %add3A_322 = vector.broadcast %add3A_321 : i32 to vector<16xi32>
      %add3A_323 = arith.addi %broadcast_in_dim3A_62, %add3A_322 : vector<16xi32>
      %gather3A_324 = tpu.vector_load_idx %arg5[%add3A_275, %add3A_323] : memref<512x22xi32, #tpu.memory_space<vmem>>[vector<16xi32>, vector<16xi32>], vector<16xi32>,
      %add3A_325 = arith.constant 40 : i32
      %add3A_326 = vector.broadcast %add3A_325 : i32 to vector<16xi32>
      %add3A_327 = arith.addi %gather3A_324, %add3A_326 : vector<16xi32>
      %gather3A_328 = tpu.vector_load_idx %arg7[%add3A_327] : memref<176xf32, #tpu.memory_space<vmem>>[vector<16xi32>], vector<16xf32>,
      %add3A_329 = arith.addf %add3A_311, %gather3A_328 : vector<16xf32>
      %add3A_330 = arith.constant 6 : i32
      %add3A_331 = vector.broadcast %add3A_330 : i32 to vector<16xi32>
      %add3A_332 = arith.addi %broadcast_in_dim3A_62, %add3A_331 : vector<16xi32>
      %gather3A_333 = tpu.vector_load_idx %arg5[%add3A_275, %add3A_332] : memref<512x22xi32, #tpu.memory_space<vmem>>[vector<16xi32>, vector<16xi32>], vector<16xi32>,
      %add3A_334 = arith.constant 46 : i32
      %add3A_335 = vector.broadcast %add3A_334 : i32 to vector<16xi32>
      %add3A_336 = arith.addi %gather3A_333, %add3A_335 : vector<16xi32>
      %gather3A_337 = tpu.vector_load_idx %arg7[%add3A_336] : memref<176xf32, #tpu.memory_space<vmem>>[vector<16xi32>], vector<16xf32>,
      %add3A_338 = arith.addf %add3A_320, %gather3A_337 : vector<16xf32>
      %add3A_339 = arith.constant 7 : i32
      %add3A_340 = vector.broadcast %add3A_339 : i32 to vector<16xi32>
      %add3A_341 = arith.addi %broadcast_in_dim3A_62, %add3A_340 : vector<16xi32>
      %gather3A_342 = tpu.vector_load_idx %arg5[%add3A_275, %add3A_341] : memref<512x22xi32, #tpu.memory_space<vmem>>[vector<16xi32>, vector<16xi32>], vector<16xi32>,
      %add3A_343 = arith.constant 51 : i32
      %add3A_344 = vector.broadcast %add3A_343 : i32 to vector<16xi32>
      %add3A_345 = arith.addi %gather3A_342, %add3A_344 : vector<16xi32>
      %gather3A_346 = tpu.vector_load_idx %arg7[%add3A_345] : memref<176xf32, #tpu.memory_space<vmem>>[vector<16xi32>], vector<16xf32>,
      %add3A_347 = arith.addf %add3A_329, %gather3A_346 : vector<16xf32>
      %add3A_348 = arith.constant 8 : i32
      %add3A_349 = vector.broadcast %add3A_348 : i32 to vector<16xi32>
      %add3A_350 = arith.addi %broadcast_in_dim3A_62, %add3A_349 : vector<16xi32>
      %gather3A_351 = tpu.vector_load_idx %arg5[%add3A_275, %add3A_350] : memref<512x22xi32, #tpu.memory_space<vmem>>[vector<16xi32>, vector<16xi32>], vector<16xi32>,
      %add3A_352 = arith.constant 55 : i32
      %add3A_353 = vector.broadcast %add3A_352 : i32 to vector<16xi32>
      %add3A_354 = arith.addi %gather3A_351, %add3A_353 : vector<16xi32>
      %gather3A_355 = tpu.vector_load_idx %arg7[%add3A_354] : memref<176xf32, #tpu.memory_space<vmem>>[vector<16xi32>], vector<16xf32>,
      %add3A_356 = arith.addf %add3A_338, %gather3A_355 : vector<16xf32>
      %add3A_357 = arith.constant 9 : i32
      %add3A_358 = vector.broadcast %add3A_357 : i32 to vector<16xi32>
      %add3A_359 = arith.addi %broadcast_in_dim3A_62, %add3A_358 : vector<16xi32>
      %gather3A_360 = tpu.vector_load_idx %arg5[%add3A_275, %add3A_359] : memref<512x22xi32, #tpu.memory_space<vmem>>[vector<16xi32>, vector<16xi32>], vector<16xi32>,
      %add3A_361 = arith.constant 69 : i32
      %add3A_362 = vector.broadcast %add3A_361 : i32 to vector<16xi32>
      %add3A_363 = arith.addi %gather3A_360, %add3A_362 : vector<16xi32>
      %gather3A_364 = tpu.vector_load_idx %arg7[%add3A_363] : memref<176xf32, #tpu.memory_space<vmem>>[vector<16xi32>], vector<16xf32>,
      %add3A_365 = arith.addf %add3A_347, %gather3A_364 : vector<16xf32>
      %add3A_366 = arith.constant 10 : i32
      %add3A_367 = vector.broadcast %add3A_366 : i32 to vector<16xi32>
      %add3A_368 = arith.addi %broadcast_in_dim3A_62, %add3A_367 : vector<16xi32>
      %gather3A_369 = tpu.vector_load_idx %arg5[%add3A_275, %add3A_368] : memref<512x22xi32, #tpu.memory_space<vmem>>[vector<16xi32>, vector<16xi32>], vector<16xi32>,
      %add3A_370 = arith.constant 73 : i32
      %add3A_371 = vector.broadcast %add3A_370 : i32 to vector<16xi32>
      %add3A_372 = arith.addi %gather3A_369, %add3A_371 : vector<16xi32>
      %gather3A_373 = tpu.vector_load_idx %arg7[%add3A_372] : memref<176xf32, #tpu.memory_space<vmem>>[vector<16xi32>], vector<16xf32>,
      %add3A_374 = arith.addf %add3A_356, %gather3A_373 : vector<16xf32>
      %add3A_375 = arith.constant 11 : i32
      %add3A_376 = vector.broadcast %add3A_375 : i32 to vector<16xi32>
      %add3A_377 = arith.addi %broadcast_in_dim3A_62, %add3A_376 : vector<16xi32>
      %gather3A_378 = tpu.vector_load_idx %arg5[%add3A_275, %add3A_377] : memref<512x22xi32, #tpu.memory_space<vmem>>[vector<16xi32>, vector<16xi32>], vector<16xi32>,
      %add3A_379 = arith.constant 82 : i32
      %add3A_380 = vector.broadcast %add3A_379 : i32 to vector<16xi32>
      %add3A_381 = arith.addi %gather3A_378, %add3A_380 : vector<16xi32>
      %gather3A_382 = tpu.vector_load_idx %arg7[%add3A_381] : memref<176xf32, #tpu.memory_space<vmem>>[vector<16xi32>], vector<16xf32>,
      %add3A_383 = arith.addf %add3A_365, %gather3A_382 : vector<16xf32>
      %add3A_384 = arith.constant 12 : i32
      %add3A_385 = vector.broadcast %add3A_384 : i32 to vector<16xi32>
      %add3A_386 = arith.addi %broadcast_in_dim3A_62, %add3A_385 : vector<16xi32>
      %gather3A_387 = tpu.vector_load_idx %arg5[%add3A_275, %add3A_386] : memref<512x22xi32, #tpu.memory_space<vmem>>[vector<16xi32>, vector<16xi32>], vector<16xi32>,
      %add3A_388 = arith.constant 88 : i32
      %add3A_389 = vector.broadcast %add3A_388 : i32 to vector<16xi32>
      %add3A_390 = arith.addi %gather3A_387, %add3A_389 : vector<16xi32>
      %gather3A_391 = tpu.vector_load_idx %arg7[%add3A_390] : memref<176xf32, #tpu.memory_space<vmem>>[vector<16xi32>], vector<16xf32>,
      %add3A_392 = arith.addf %add3A_374, %gather3A_391 : vector<16xf32>
      %add3A_393 = arith.constant 13 : i32
      %add3A_394 = vector.broadcast %add3A_393 : i32 to vector<16xi32>
      %add3A_395 = arith.addi %broadcast_in_dim3A_62, %add3A_394 : vector<16xi32>
      %gather3A_396 = tpu.vector_load_idx %arg5[%add3A_275, %add3A_395] : memref<512x22xi32, #tpu.memory_space<vmem>>[vector<16xi32>, vector<16xi32>], vector<16xi32>,
      %add3A_397 = arith.constant 94 : i32
      %add3A_398 = vector.broadcast %add3A_397 : i32 to vector<16xi32>
      %add3A_399 = arith.addi %gather3A_396, %add3A_398 : vector<16xi32>
      %gather3A_400 = tpu.vector_load_idx %arg7[%add3A_399] : memref<176xf32, #tpu.memory_space<vmem>>[vector<16xi32>], vector<16xf32>,
      %add3A_401 = arith.addf %add3A_383, %gather3A_400 : vector<16xf32>
      %add3A_402 = arith.constant 14 : i32
      %add3A_403 = vector.broadcast %add3A_402 : i32 to vector<16xi32>
      %add3A_404 = arith.addi %broadcast_in_dim3A_62, %add3A_403 : vector<16xi32>
      %gather3A_405 = tpu.vector_load_idx %arg5[%add3A_275, %add3A_404] : memref<512x22xi32, #tpu.memory_space<vmem>>[vector<16xi32>, vector<16xi32>], vector<16xi32>,
      %add3A_406 = arith.constant 105 : i32
      %add3A_407 = vector.broadcast %add3A_406 : i32 to vector<16xi32>
      %add3A_408 = arith.addi %gather3A_405, %add3A_407 : vector<16xi32>
      %gather3A_409 = tpu.vector_load_idx %arg7[%add3A_408] : memref<176xf32, #tpu.memory_space<vmem>>[vector<16xi32>], vector<16xf32>,
      %add3A_410 = arith.addf %add3A_392, %gather3A_409 : vector<16xf32>
      %add3A_411 = arith.constant 15 : i32
      %add3A_412 = vector.broadcast %add3A_411 : i32 to vector<16xi32>
      %add3A_413 = arith.addi %broadcast_in_dim3A_62, %add3A_412 : vector<16xi32>
      %gather3A_414 = tpu.vector_load_idx %arg5[%add3A_275, %add3A_413] : memref<512x22xi32, #tpu.memory_space<vmem>>[vector<16xi32>, vector<16xi32>], vector<16xi32>,
      %add3A_415 = arith.constant 116 : i32
      %add3A_416 = vector.broadcast %add3A_415 : i32 to vector<16xi32>
      %add3A_417 = arith.addi %gather3A_414, %add3A_416 : vector<16xi32>
      %gather3A_418 = tpu.vector_load_idx %arg7[%add3A_417] : memref<176xf32, #tpu.memory_space<vmem>>[vector<16xi32>], vector<16xf32>,
      %add3A_419 = arith.addf %add3A_401, %gather3A_418 : vector<16xf32>
      %add3A_420 = arith.constant 16 : i32
      %add3A_421 = vector.broadcast %add3A_420 : i32 to vector<16xi32>
      %add3A_422 = arith.addi %broadcast_in_dim3A_62, %add3A_421 : vector<16xi32>
      %gather3A_423 = tpu.vector_load_idx %arg5[%add3A_275, %add3A_422] : memref<512x22xi32, #tpu.memory_space<vmem>>[vector<16xi32>, vector<16xi32>], vector<16xi32>,
      %add3A_424 = arith.constant 120 : i32
      %add3A_425 = vector.broadcast %add3A_424 : i32 to vector<16xi32>
      %add3A_426 = arith.addi %gather3A_423, %add3A_425 : vector<16xi32>
      %gather3A_427 = tpu.vector_load_idx %arg7[%add3A_426] : memref<176xf32, #tpu.memory_space<vmem>>[vector<16xi32>], vector<16xf32>,
      %add3A_428 = arith.addf %add3A_410, %gather3A_427 : vector<16xf32>
      %add3A_429 = arith.constant 17 : i32
      %add3A_430 = vector.broadcast %add3A_429 : i32 to vector<16xi32>
      %add3A_431 = arith.addi %broadcast_in_dim3A_62, %add3A_430 : vector<16xi32>
      %gather3A_432 = tpu.vector_load_idx %arg5[%add3A_275, %add3A_431] : memref<512x22xi32, #tpu.memory_space<vmem>>[vector<16xi32>, vector<16xi32>], vector<16xi32>,
      %add3A_433 = arith.constant 126 : i32
      %add3A_434 = vector.broadcast %add3A_433 : i32 to vector<16xi32>
      %add3A_435 = arith.addi %gather3A_432, %add3A_434 : vector<16xi32>
      %gather3A_436 = tpu.vector_load_idx %arg7[%add3A_435] : memref<176xf32, #tpu.memory_space<vmem>>[vector<16xi32>], vector<16xf32>,
      %add3A_437 = arith.addf %add3A_419, %gather3A_436 : vector<16xf32>
      %add3A_438 = arith.constant 18 : i32
      %add3A_439 = vector.broadcast %add3A_438 : i32 to vector<16xi32>
      %add3A_440 = arith.addi %broadcast_in_dim3A_62, %add3A_439 : vector<16xi32>
      %gather3A_441 = tpu.vector_load_idx %arg5[%add3A_275, %add3A_440] : memref<512x22xi32, #tpu.memory_space<vmem>>[vector<16xi32>, vector<16xi32>], vector<16xi32>,
      %add3A_442 = arith.constant 131 : i32
      %add3A_443 = vector.broadcast %add3A_442 : i32 to vector<16xi32>
      %add3A_444 = arith.addi %gather3A_441, %add3A_443 : vector<16xi32>
      %gather3A_445 = tpu.vector_load_idx %arg7[%add3A_444] : memref<176xf32, #tpu.memory_space<vmem>>[vector<16xi32>], vector<16xf32>,
      %add3A_446 = arith.addf %add3A_428, %gather3A_445 : vector<16xf32>
      %add3A_447 = arith.constant 19 : i32
      %add3A_448 = vector.broadcast %add3A_447 : i32 to vector<16xi32>
      %add3A_449 = arith.addi %broadcast_in_dim3A_62, %add3A_448 : vector<16xi32>
      %gather3A_450 = tpu.vector_load_idx %arg5[%add3A_275, %add3A_449] : memref<512x22xi32, #tpu.memory_space<vmem>>[vector<16xi32>, vector<16xi32>], vector<16xi32>,
      %add3A_451 = arith.constant 141 : i32
      %add3A_452 = vector.broadcast %add3A_451 : i32 to vector<16xi32>
      %add3A_453 = arith.addi %gather3A_450, %add3A_452 : vector<16xi32>
      %gather3A_454 = tpu.vector_load_idx %arg7[%add3A_453] : memref<176xf32, #tpu.memory_space<vmem>>[vector<16xi32>], vector<16xf32>,
      %add3A_455 = arith.addf %add3A_437, %gather3A_454 : vector<16xf32>
      %add3A_456 = arith.constant 20 : i32
      %add3A_457 = vector.broadcast %add3A_456 : i32 to vector<16xi32>
      %add3A_458 = arith.addi %broadcast_in_dim3A_62, %add3A_457 : vector<16xi32>
      %gather3A_459 = tpu.vector_load_idx %arg5[%add3A_275, %add3A_458] : memref<512x22xi32, #tpu.memory_space<vmem>>[vector<16xi32>, vector<16xi32>], vector<16xi32>,
      %add3A_460 = arith.constant 152 : i32
      %add3A_461 = vector.broadcast %add3A_460 : i32 to vector<16xi32>
      %add3A_462 = arith.addi %gather3A_459, %add3A_461 : vector<16xi32>
      %gather3A_463 = tpu.vector_load_idx %arg7[%add3A_462] : memref<176xf32, #tpu.memory_space<vmem>>[vector<16xi32>], vector<16xf32>,
      %add3A_464 = arith.addf %add3A_446, %gather3A_463 : vector<16xf32>
      %add3A_465 = arith.constant 21 : i32
      %add3A_466 = vector.broadcast %add3A_465 : i32 to vector<16xi32>
      %add3A_467 = arith.addi %broadcast_in_dim3A_62, %add3A_466 : vector<16xi32>
      %gather3A_468 = tpu.vector_load_idx %arg5[%add3A_275, %add3A_467] : memref<512x22xi32, #tpu.memory_space<vmem>>[vector<16xi32>, vector<16xi32>], vector<16xi32>,
      %add3A_469 = arith.constant 160 : i32
      %add3A_470 = vector.broadcast %add3A_469 : i32 to vector<16xi32>
      %add3A_471 = arith.addi %gather3A_468, %add3A_470 : vector<16xi32>
      %gather3A_472 = tpu.vector_load_idx %arg7[%add3A_471] : memref<176xf32, #tpu.memory_space<vmem>>[vector<16xi32>], vector<16xf32>,
      %add3A_473 = arith.addf %add3A_455, %gather3A_472 : vector<16xf32>
      %add3A_474 = arith.addf %add3A_464, %add3A_473 : vector<16xf32>
      %abs3A = math.absf %add3A_474 : vector<16xf32>
      %sub3A_475 = arith.subf %broadcast_in_dim3A_196, %abs3A : vector<16xf32>
      %exp3A = math.exp %sub3A_475 : vector<16xf32>
      %add3A_476 = arith.addf %broadcast_in_dim3A_194, %exp3A : vector<16xf32>
      %div3A = arith.divf %broadcast_in_dim3A_194, %add3A_476 : vector<16xf32>
      %sub3A_477 = arith.subf %broadcast_in_dim3A_194, %div3A : vector<16xf32>
      %gt3A = arith.cmpf ogt, %add3A_474, %broadcast_in_dim3A_196 : vector<16xf32>
      %select_n3A = arith.select %gt3A, %sub3A_477, %div3A : vector<16xi1>, vector<16xf32>
      %select_n3A_478 = arith.select %gt3A, %div3A, %sub3A_477 : vector<16xi1>, vector<16xf32>
      tpu.vector_store_idx %arg8[%add3A_275, %broadcast_in_dim3A_62], %select_n3A : memref<512x2xf32, #tpu.memory_space<vmem>>[vector<16xi32>, vector<16xi32>], vector<16xf32>,
      %add3A_479 = arith.constant 1 : i32
      %add3A_480 = vector.broadcast %add3A_479 : i32 to vector<16xi32>
      %add3A_481 = arith.addi %broadcast_in_dim3A_62, %add3A_480 : vector<16xi32>
      tpu.vector_store_idx %arg8[%add3A_275, %add3A_481], %select_n3A_478 : memref<512x2xf32, #tpu.memory_space<vmem>>[vector<16xi32>, vector<16xi32>], vector<16xf32>,
    }
    %scan3A_232 = arith.constant 8 : i32
    %dma_wait3A_233 = arith.constant 2 : i32
    %dma_wait3A_234 = arith.constant 256 : i32
    %dma_wait3A_235 = arith.constant 0 : i32
    %dma_wait3A_236 = tpu.memref_slice %arg5[%dma_wait3A_234, %dma_wait3A_235] : memref<512x22xi32, #tpu.memory_space<vmem>> -> memref<128x22xi32, #tpu.memory_space<vmem>>
    %dma_wait3A_237 = arith.constant 0 : i32
    %dma_wait3A_238 = tpu.memref_slice %arg2[%add3A_33, %dma_wait3A_237] : memref<16384x22xi32, #tpu.memory_space<hbm>> -> memref<128x22xi32, #tpu.memory_space<hbm>>
    %dma_wait3A_239 = tpu.memref_slice %arg9[%dma_wait3A_233] : memref<4x!tpu.dma_semaphore, #tpu.memory_space<semaphore_mem>> -> memref<1x!tpu.dma_semaphore, #tpu.memory_space<semaphore_mem>>
    %dma_wait3A_240 = tpu.memref_squeeze %dma_wait3A_239 : memref<1x!tpu.dma_semaphore, #tpu.memory_space<semaphore_mem>> -> memref<!tpu.dma_semaphore, #tpu.memory_space<semaphore_mem>>
    %dma_wait3A_241 = arith.constant 256 : i32
    %dma_wait3A_242 = arith.constant 0 : i32
    %dma_wait3A_243 = tpu.memref_slice %arg5[%dma_wait3A_241, %dma_wait3A_242] : memref<512x22xi32, #tpu.memory_space<vmem>> -> memref<128x22xi32, #tpu.memory_space<vmem>>
    %dma_wait3A_244 = arith.constant 0 : i32
    %dma_wait3A_245 = tpu.memref_slice %arg2[%add3A_33, %dma_wait3A_244] : memref<16384x22xi32, #tpu.memory_space<hbm>> -> memref<128x22xi32, #tpu.memory_space<hbm>>
    tpu.wait_dma2 semaphore(%dma_wait3A_240 : memref<!tpu.dma_semaphore, #tpu.memory_space<semaphore_mem>>) src(%dma_wait3A_245 : memref<128x22xi32, #tpu.memory_space<hbm>>) dst(%dma_wait3A_243 : memref<128x22xi32, #tpu.memory_space<vmem>>)
    %scan3A_246 = arith.constant 0 : i32
    %scan3A_247 = arith.constant 16 : i32
    %scan3A_248 = arith.constant 8 : i32
    %scan3A_249 = arith.addi %scan3A_247, %scan3A_248 : i32
    %scan3A_250 = arith.constant 1 : i32
    scf.for %scan3A_271 = %scan3A_247 to %scan3A_249 step %scan3A_250  : i32 {
      %mul3A_272 = arith.constant 16 : i32
      %mul3A_273 = arith.muli %scan3A_271, %mul3A_272 : i32
      %add3A_274 = vector.broadcast %mul3A_273 : i32 to vector<16xi32>
      %add3A_275 = arith.addi %iota3A, %add3A_274 : vector<16xi32>
      %add3A_276 = arith.constant 0 : i32
      %add3A_277 = vector.broadcast %add3A_276 : i32 to vector<16xi32>
      %add3A_278 = arith.addi %broadcast_in_dim3A_62, %add3A_277 : vector<16xi32>
      %gather3A_279 = tpu.vector_load_idx %arg5[%add3A_275, %add3A_278] : memref<512x22xi32, #tpu.memory_space<vmem>>[vector<16xi32>, vector<16xi32>], vector<16xi32>,
      %add3A_280 = arith.constant 0 : i32
      %add3A_281 = vector.broadcast %add3A_280 : i32 to vector<16xi32>
      %add3A_282 = arith.addi %gather3A_279, %add3A_281 : vector<16xi32>
      %gather3A_283 = tpu.vector_load_idx %arg7[%add3A_282] : memref<176xf32, #tpu.memory_space<vmem>>[vector<16xi32>], vector<16xf32>,
      %add3A_284 = arith.addf %sub3A_192, %gather3A_283 : vector<16xf32>
      %add3A_285 = arith.constant 1 : i32
      %add3A_286 = vector.broadcast %add3A_285 : i32 to vector<16xi32>
      %add3A_287 = arith.addi %broadcast_in_dim3A_62, %add3A_286 : vector<16xi32>
      %gather3A_288 = tpu.vector_load_idx %arg5[%add3A_275, %add3A_287] : memref<512x22xi32, #tpu.memory_space<vmem>>[vector<16xi32>, vector<16xi32>], vector<16xi32>,
      %add3A_289 = arith.constant 7 : i32
      %add3A_290 = vector.broadcast %add3A_289 : i32 to vector<16xi32>
      %add3A_291 = arith.addi %gather3A_288, %add3A_290 : vector<16xi32>
      %gather3A_292 = tpu.vector_load_idx %arg7[%add3A_291] : memref<176xf32, #tpu.memory_space<vmem>>[vector<16xi32>], vector<16xf32>,
      %add3A_293 = arith.addf %broadcast_in_dim3A_196, %gather3A_292 : vector<16xf32>
      %add3A_294 = arith.constant 2 : i32
      %add3A_295 = vector.broadcast %add3A_294 : i32 to vector<16xi32>
      %add3A_296 = arith.addi %broadcast_in_dim3A_62, %add3A_295 : vector<16xi32>
      %gather3A_297 = tpu.vector_load_idx %arg5[%add3A_275, %add3A_296] : memref<512x22xi32, #tpu.memory_space<vmem>>[vector<16xi32>, vector<16xi32>], vector<16xi32>,
      %add3A_298 = arith.constant 13 : i32
      %add3A_299 = vector.broadcast %add3A_298 : i32 to vector<16xi32>
      %add3A_300 = arith.addi %gather3A_297, %add3A_299 : vector<16xi32>
      %gather3A_301 = tpu.vector_load_idx %arg7[%add3A_300] : memref<176xf32, #tpu.memory_space<vmem>>[vector<16xi32>], vector<16xf32>,
      %add3A_302 = arith.addf %add3A_284, %gather3A_301 : vector<16xf32>
      %add3A_303 = arith.constant 3 : i32
      %add3A_304 = vector.broadcast %add3A_303 : i32 to vector<16xi32>
      %add3A_305 = arith.addi %broadcast_in_dim3A_62, %add3A_304 : vector<16xi32>
      %gather3A_306 = tpu.vector_load_idx %arg5[%add3A_275, %add3A_305] : memref<512x22xi32, #tpu.memory_space<vmem>>[vector<16xi32>, vector<16xi32>], vector<16xi32>,
      %add3A_307 = arith.constant 25 : i32
      %add3A_308 = vector.broadcast %add3A_307 : i32 to vector<16xi32>
      %add3A_309 = arith.addi %gather3A_306, %add3A_308 : vector<16xi32>
      %gather3A_310 = tpu.vector_load_idx %arg7[%add3A_309] : memref<176xf32, #tpu.memory_space<vmem>>[vector<16xi32>], vector<16xf32>,
      %add3A_311 = arith.addf %add3A_293, %gather3A_310 : vector<16xf32>
      %add3A_312 = arith.constant 4 : i32
      %add3A_313 = vector.broadcast %add3A_312 : i32 to vector<16xi32>
      %add3A_314 = arith.addi %broadcast_in_dim3A_62, %add3A_313 : vector<16xi32>
      %gather3A_315 = tpu.vector_load_idx %arg5[%add3A_275, %add3A_314] : memref<512x22xi32, #tpu.memory_space<vmem>>[vector<16xi32>, vector<16xi32>], vector<16xi32>,
      %add3A_316 = arith.constant 29 : i32
      %add3A_317 = vector.broadcast %add3A_316 : i32 to vector<16xi32>
      %add3A_318 = arith.addi %gather3A_315, %add3A_317 : vector<16xi32>
      %gather3A_319 = tpu.vector_load_idx %arg7[%add3A_318] : memref<176xf32, #tpu.memory_space<vmem>>[vector<16xi32>], vector<16xf32>,
      %add3A_320 = arith.addf %add3A_302, %gather3A_319 : vector<16xf32>
      %add3A_321 = arith.constant 5 : i32
      %add3A_322 = vector.broadcast %add3A_321 : i32 to vector<16xi32>
      %add3A_323 = arith.addi %broadcast_in_dim3A_62, %add3A_322 : vector<16xi32>
      %gather3A_324 = tpu.vector_load_idx %arg5[%add3A_275, %add3A_323] : memref<512x22xi32, #tpu.memory_space<vmem>>[vector<16xi32>, vector<16xi32>], vector<16xi32>,
      %add3A_325 = arith.constant 40 : i32
      %add3A_326 = vector.broadcast %add3A_325 : i32 to vector<16xi32>
      %add3A_327 = arith.addi %gather3A_324, %add3A_326 : vector<16xi32>
      %gather3A_328 = tpu.vector_load_idx %arg7[%add3A_327] : memref<176xf32, #tpu.memory_space<vmem>>[vector<16xi32>], vector<16xf32>,
      %add3A_329 = arith.addf %add3A_311, %gather3A_328 : vector<16xf32>
      %add3A_330 = arith.constant 6 : i32
      %add3A_331 = vector.broadcast %add3A_330 : i32 to vector<16xi32>
      %add3A_332 = arith.addi %broadcast_in_dim3A_62, %add3A_331 : vector<16xi32>
      %gather3A_333 = tpu.vector_load_idx %arg5[%add3A_275, %add3A_332] : memref<512x22xi32, #tpu.memory_space<vmem>>[vector<16xi32>, vector<16xi32>], vector<16xi32>,
      %add3A_334 = arith.constant 46 : i32
      %add3A_335 = vector.broadcast %add3A_334 : i32 to vector<16xi32>
      %add3A_336 = arith.addi %gather3A_333, %add3A_335 : vector<16xi32>
      %gather3A_337 = tpu.vector_load_idx %arg7[%add3A_336] : memref<176xf32, #tpu.memory_space<vmem>>[vector<16xi32>], vector<16xf32>,
      %add3A_338 = arith.addf %add3A_320, %gather3A_337 : vector<16xf32>
      %add3A_339 = arith.constant 7 : i32
      %add3A_340 = vector.broadcast %add3A_339 : i32 to vector<16xi32>
      %add3A_341 = arith.addi %broadcast_in_dim3A_62, %add3A_340 : vector<16xi32>
      %gather3A_342 = tpu.vector_load_idx %arg5[%add3A_275, %add3A_341] : memref<512x22xi32, #tpu.memory_space<vmem>>[vector<16xi32>, vector<16xi32>], vector<16xi32>,
      %add3A_343 = arith.constant 51 : i32
      %add3A_344 = vector.broadcast %add3A_343 : i32 to vector<16xi32>
      %add3A_345 = arith.addi %gather3A_342, %add3A_344 : vector<16xi32>
      %gather3A_346 = tpu.vector_load_idx %arg7[%add3A_345] : memref<176xf32, #tpu.memory_space<vmem>>[vector<16xi32>], vector<16xf32>,
      %add3A_347 = arith.addf %add3A_329, %gather3A_346 : vector<16xf32>
      %add3A_348 = arith.constant 8 : i32
      %add3A_349 = vector.broadcast %add3A_348 : i32 to vector<16xi32>
      %add3A_350 = arith.addi %broadcast_in_dim3A_62, %add3A_349 : vector<16xi32>
      %gather3A_351 = tpu.vector_load_idx %arg5[%add3A_275, %add3A_350] : memref<512x22xi32, #tpu.memory_space<vmem>>[vector<16xi32>, vector<16xi32>], vector<16xi32>,
      %add3A_352 = arith.constant 55 : i32
      %add3A_353 = vector.broadcast %add3A_352 : i32 to vector<16xi32>
      %add3A_354 = arith.addi %gather3A_351, %add3A_353 : vector<16xi32>
      %gather3A_355 = tpu.vector_load_idx %arg7[%add3A_354] : memref<176xf32, #tpu.memory_space<vmem>>[vector<16xi32>], vector<16xf32>,
      %add3A_356 = arith.addf %add3A_338, %gather3A_355 : vector<16xf32>
      %add3A_357 = arith.constant 9 : i32
      %add3A_358 = vector.broadcast %add3A_357 : i32 to vector<16xi32>
      %add3A_359 = arith.addi %broadcast_in_dim3A_62, %add3A_358 : vector<16xi32>
      %gather3A_360 = tpu.vector_load_idx %arg5[%add3A_275, %add3A_359] : memref<512x22xi32, #tpu.memory_space<vmem>>[vector<16xi32>, vector<16xi32>], vector<16xi32>,
      %add3A_361 = arith.constant 69 : i32
      %add3A_362 = vector.broadcast %add3A_361 : i32 to vector<16xi32>
      %add3A_363 = arith.addi %gather3A_360, %add3A_362 : vector<16xi32>
      %gather3A_364 = tpu.vector_load_idx %arg7[%add3A_363] : memref<176xf32, #tpu.memory_space<vmem>>[vector<16xi32>], vector<16xf32>,
      %add3A_365 = arith.addf %add3A_347, %gather3A_364 : vector<16xf32>
      %add3A_366 = arith.constant 10 : i32
      %add3A_367 = vector.broadcast %add3A_366 : i32 to vector<16xi32>
      %add3A_368 = arith.addi %broadcast_in_dim3A_62, %add3A_367 : vector<16xi32>
      %gather3A_369 = tpu.vector_load_idx %arg5[%add3A_275, %add3A_368] : memref<512x22xi32, #tpu.memory_space<vmem>>[vector<16xi32>, vector<16xi32>], vector<16xi32>,
      %add3A_370 = arith.constant 73 : i32
      %add3A_371 = vector.broadcast %add3A_370 : i32 to vector<16xi32>
      %add3A_372 = arith.addi %gather3A_369, %add3A_371 : vector<16xi32>
      %gather3A_373 = tpu.vector_load_idx %arg7[%add3A_372] : memref<176xf32, #tpu.memory_space<vmem>>[vector<16xi32>], vector<16xf32>,
      %add3A_374 = arith.addf %add3A_356, %gather3A_373 : vector<16xf32>
      %add3A_375 = arith.constant 11 : i32
      %add3A_376 = vector.broadcast %add3A_375 : i32 to vector<16xi32>
      %add3A_377 = arith.addi %broadcast_in_dim3A_62, %add3A_376 : vector<16xi32>
      %gather3A_378 = tpu.vector_load_idx %arg5[%add3A_275, %add3A_377] : memref<512x22xi32, #tpu.memory_space<vmem>>[vector<16xi32>, vector<16xi32>], vector<16xi32>,
      %add3A_379 = arith.constant 82 : i32
      %add3A_380 = vector.broadcast %add3A_379 : i32 to vector<16xi32>
      %add3A_381 = arith.addi %gather3A_378, %add3A_380 : vector<16xi32>
      %gather3A_382 = tpu.vector_load_idx %arg7[%add3A_381] : memref<176xf32, #tpu.memory_space<vmem>>[vector<16xi32>], vector<16xf32>,
      %add3A_383 = arith.addf %add3A_365, %gather3A_382 : vector<16xf32>
      %add3A_384 = arith.constant 12 : i32
      %add3A_385 = vector.broadcast %add3A_384 : i32 to vector<16xi32>
      %add3A_386 = arith.addi %broadcast_in_dim3A_62, %add3A_385 : vector<16xi32>
      %gather3A_387 = tpu.vector_load_idx %arg5[%add3A_275, %add3A_386] : memref<512x22xi32, #tpu.memory_space<vmem>>[vector<16xi32>, vector<16xi32>], vector<16xi32>,
      %add3A_388 = arith.constant 88 : i32
      %add3A_389 = vector.broadcast %add3A_388 : i32 to vector<16xi32>
      %add3A_390 = arith.addi %gather3A_387, %add3A_389 : vector<16xi32>
      %gather3A_391 = tpu.vector_load_idx %arg7[%add3A_390] : memref<176xf32, #tpu.memory_space<vmem>>[vector<16xi32>], vector<16xf32>,
      %add3A_392 = arith.addf %add3A_374, %gather3A_391 : vector<16xf32>
      %add3A_393 = arith.constant 13 : i32
      %add3A_394 = vector.broadcast %add3A_393 : i32 to vector<16xi32>
      %add3A_395 = arith.addi %broadcast_in_dim3A_62, %add3A_394 : vector<16xi32>
      %gather3A_396 = tpu.vector_load_idx %arg5[%add3A_275, %add3A_395] : memref<512x22xi32, #tpu.memory_space<vmem>>[vector<16xi32>, vector<16xi32>], vector<16xi32>,
      %add3A_397 = arith.constant 94 : i32
      %add3A_398 = vector.broadcast %add3A_397 : i32 to vector<16xi32>
      %add3A_399 = arith.addi %gather3A_396, %add3A_398 : vector<16xi32>
      %gather3A_400 = tpu.vector_load_idx %arg7[%add3A_399] : memref<176xf32, #tpu.memory_space<vmem>>[vector<16xi32>], vector<16xf32>,
      %add3A_401 = arith.addf %add3A_383, %gather3A_400 : vector<16xf32>
      %add3A_402 = arith.constant 14 : i32
      %add3A_403 = vector.broadcast %add3A_402 : i32 to vector<16xi32>
      %add3A_404 = arith.addi %broadcast_in_dim3A_62, %add3A_403 : vector<16xi32>
      %gather3A_405 = tpu.vector_load_idx %arg5[%add3A_275, %add3A_404] : memref<512x22xi32, #tpu.memory_space<vmem>>[vector<16xi32>, vector<16xi32>], vector<16xi32>,
      %add3A_406 = arith.constant 105 : i32
      %add3A_407 = vector.broadcast %add3A_406 : i32 to vector<16xi32>
      %add3A_408 = arith.addi %gather3A_405, %add3A_407 : vector<16xi32>
      %gather3A_409 = tpu.vector_load_idx %arg7[%add3A_408] : memref<176xf32, #tpu.memory_space<vmem>>[vector<16xi32>], vector<16xf32>,
      %add3A_410 = arith.addf %add3A_392, %gather3A_409 : vector<16xf32>
      %add3A_411 = arith.constant 15 : i32
      %add3A_412 = vector.broadcast %add3A_411 : i32 to vector<16xi32>
      %add3A_413 = arith.addi %broadcast_in_dim3A_62, %add3A_412 : vector<16xi32>
      %gather3A_414 = tpu.vector_load_idx %arg5[%add3A_275, %add3A_413] : memref<512x22xi32, #tpu.memory_space<vmem>>[vector<16xi32>, vector<16xi32>], vector<16xi32>,
      %add3A_415 = arith.constant 116 : i32
      %add3A_416 = vector.broadcast %add3A_415 : i32 to vector<16xi32>
      %add3A_417 = arith.addi %gather3A_414, %add3A_416 : vector<16xi32>
      %gather3A_418 = tpu.vector_load_idx %arg7[%add3A_417] : memref<176xf32, #tpu.memory_space<vmem>>[vector<16xi32>], vector<16xf32>,
      %add3A_419 = arith.addf %add3A_401, %gather3A_418 : vector<16xf32>
      %add3A_420 = arith.constant 16 : i32
      %add3A_421 = vector.broadcast %add3A_420 : i32 to vector<16xi32>
      %add3A_422 = arith.addi %broadcast_in_dim3A_62, %add3A_421 : vector<16xi32>
      %gather3A_423 = tpu.vector_load_idx %arg5[%add3A_275, %add3A_422] : memref<512x22xi32, #tpu.memory_space<vmem>>[vector<16xi32>, vector<16xi32>], vector<16xi32>,
      %add3A_424 = arith.constant 120 : i32
      %add3A_425 = vector.broadcast %add3A_424 : i32 to vector<16xi32>
      %add3A_426 = arith.addi %gather3A_423, %add3A_425 : vector<16xi32>
      %gather3A_427 = tpu.vector_load_idx %arg7[%add3A_426] : memref<176xf32, #tpu.memory_space<vmem>>[vector<16xi32>], vector<16xf32>,
      %add3A_428 = arith.addf %add3A_410, %gather3A_427 : vector<16xf32>
      %add3A_429 = arith.constant 17 : i32
      %add3A_430 = vector.broadcast %add3A_429 : i32 to vector<16xi32>
      %add3A_431 = arith.addi %broadcast_in_dim3A_62, %add3A_430 : vector<16xi32>
      %gather3A_432 = tpu.vector_load_idx %arg5[%add3A_275, %add3A_431] : memref<512x22xi32, #tpu.memory_space<vmem>>[vector<16xi32>, vector<16xi32>], vector<16xi32>,
      %add3A_433 = arith.constant 126 : i32
      %add3A_434 = vector.broadcast %add3A_433 : i32 to vector<16xi32>
      %add3A_435 = arith.addi %gather3A_432, %add3A_434 : vector<16xi32>
      %gather3A_436 = tpu.vector_load_idx %arg7[%add3A_435] : memref<176xf32, #tpu.memory_space<vmem>>[vector<16xi32>], vector<16xf32>,
      %add3A_437 = arith.addf %add3A_419, %gather3A_436 : vector<16xf32>
      %add3A_438 = arith.constant 18 : i32
      %add3A_439 = vector.broadcast %add3A_438 : i32 to vector<16xi32>
      %add3A_440 = arith.addi %broadcast_in_dim3A_62, %add3A_439 : vector<16xi32>
      %gather3A_441 = tpu.vector_load_idx %arg5[%add3A_275, %add3A_440] : memref<512x22xi32, #tpu.memory_space<vmem>>[vector<16xi32>, vector<16xi32>], vector<16xi32>,
      %add3A_442 = arith.constant 131 : i32
      %add3A_443 = vector.broadcast %add3A_442 : i32 to vector<16xi32>
      %add3A_444 = arith.addi %gather3A_441, %add3A_443 : vector<16xi32>
      %gather3A_445 = tpu.vector_load_idx %arg7[%add3A_444] : memref<176xf32, #tpu.memory_space<vmem>>[vector<16xi32>], vector<16xf32>,
      %add3A_446 = arith.addf %add3A_428, %gather3A_445 : vector<16xf32>
      %add3A_447 = arith.constant 19 : i32
      %add3A_448 = vector.broadcast %add3A_447 : i32 to vector<16xi32>
      %add3A_449 = arith.addi %broadcast_in_dim3A_62, %add3A_448 : vector<16xi32>
      %gather3A_450 = tpu.vector_load_idx %arg5[%add3A_275, %add3A_449] : memref<512x22xi32, #tpu.memory_space<vmem>>[vector<16xi32>, vector<16xi32>], vector<16xi32>,
      %add3A_451 = arith.constant 141 : i32
      %add3A_452 = vector.broadcast %add3A_451 : i32 to vector<16xi32>
      %add3A_453 = arith.addi %gather3A_450, %add3A_452 : vector<16xi32>
      %gather3A_454 = tpu.vector_load_idx %arg7[%add3A_453] : memref<176xf32, #tpu.memory_space<vmem>>[vector<16xi32>], vector<16xf32>,
      %add3A_455 = arith.addf %add3A_437, %gather3A_454 : vector<16xf32>
      %add3A_456 = arith.constant 20 : i32
      %add3A_457 = vector.broadcast %add3A_456 : i32 to vector<16xi32>
      %add3A_458 = arith.addi %broadcast_in_dim3A_62, %add3A_457 : vector<16xi32>
      %gather3A_459 = tpu.vector_load_idx %arg5[%add3A_275, %add3A_458] : memref<512x22xi32, #tpu.memory_space<vmem>>[vector<16xi32>, vector<16xi32>], vector<16xi32>,
      %add3A_460 = arith.constant 152 : i32
      %add3A_461 = vector.broadcast %add3A_460 : i32 to vector<16xi32>
      %add3A_462 = arith.addi %gather3A_459, %add3A_461 : vector<16xi32>
      %gather3A_463 = tpu.vector_load_idx %arg7[%add3A_462] : memref<176xf32, #tpu.memory_space<vmem>>[vector<16xi32>], vector<16xf32>,
      %add3A_464 = arith.addf %add3A_446, %gather3A_463 : vector<16xf32>
      %add3A_465 = arith.constant 21 : i32
      %add3A_466 = vector.broadcast %add3A_465 : i32 to vector<16xi32>
      %add3A_467 = arith.addi %broadcast_in_dim3A_62, %add3A_466 : vector<16xi32>
      %gather3A_468 = tpu.vector_load_idx %arg5[%add3A_275, %add3A_467] : memref<512x22xi32, #tpu.memory_space<vmem>>[vector<16xi32>, vector<16xi32>], vector<16xi32>,
      %add3A_469 = arith.constant 160 : i32
      %add3A_470 = vector.broadcast %add3A_469 : i32 to vector<16xi32>
      %add3A_471 = arith.addi %gather3A_468, %add3A_470 : vector<16xi32>
      %gather3A_472 = tpu.vector_load_idx %arg7[%add3A_471] : memref<176xf32, #tpu.memory_space<vmem>>[vector<16xi32>], vector<16xf32>,
      %add3A_473 = arith.addf %add3A_455, %gather3A_472 : vector<16xf32>
      %add3A_474 = arith.addf %add3A_464, %add3A_473 : vector<16xf32>
      %abs3A = math.absf %add3A_474 : vector<16xf32>
      %sub3A_475 = arith.subf %broadcast_in_dim3A_196, %abs3A : vector<16xf32>
      %exp3A = math.exp %sub3A_475 : vector<16xf32>
      %add3A_476 = arith.addf %broadcast_in_dim3A_194, %exp3A : vector<16xf32>
      %div3A = arith.divf %broadcast_in_dim3A_194, %add3A_476 : vector<16xf32>
      %sub3A_477 = arith.subf %broadcast_in_dim3A_194, %div3A : vector<16xf32>
      %gt3A = arith.cmpf ogt, %add3A_474, %broadcast_in_dim3A_196 : vector<16xf32>
      %select_n3A = arith.select %gt3A, %sub3A_477, %div3A : vector<16xi1>, vector<16xf32>
      %select_n3A_478 = arith.select %gt3A, %div3A, %sub3A_477 : vector<16xi1>, vector<16xf32>
      tpu.vector_store_idx %arg8[%add3A_275, %broadcast_in_dim3A_62], %select_n3A : memref<512x2xf32, #tpu.memory_space<vmem>>[vector<16xi32>, vector<16xi32>], vector<16xf32>,
      %add3A_479 = arith.constant 1 : i32
      %add3A_480 = vector.broadcast %add3A_479 : i32 to vector<16xi32>
      %add3A_481 = arith.addi %broadcast_in_dim3A_62, %add3A_480 : vector<16xi32>
      tpu.vector_store_idx %arg8[%add3A_275, %add3A_481], %select_n3A_478 : memref<512x2xf32, #tpu.memory_space<vmem>>[vector<16xi32>, vector<16xi32>], vector<16xf32>,
    }
    %scan3A_251 = arith.constant 8 : i32
    %dma_wait3A_252 = arith.constant 3 : i32
    %dma_wait3A_253 = arith.constant 384 : i32
    %dma_wait3A_254 = arith.constant 0 : i32
    %dma_wait3A_255 = tpu.memref_slice %arg5[%dma_wait3A_253, %dma_wait3A_254] : memref<512x22xi32, #tpu.memory_space<vmem>> -> memref<128x22xi32, #tpu.memory_space<vmem>>
    %dma_wait3A_256 = arith.constant 0 : i32
    %dma_wait3A_257 = tpu.memref_slice %arg2[%add3A_48, %dma_wait3A_256] : memref<16384x22xi32, #tpu.memory_space<hbm>> -> memref<128x22xi32, #tpu.memory_space<hbm>>
    %dma_wait3A_258 = tpu.memref_slice %arg9[%dma_wait3A_252] : memref<4x!tpu.dma_semaphore, #tpu.memory_space<semaphore_mem>> -> memref<1x!tpu.dma_semaphore, #tpu.memory_space<semaphore_mem>>
    %dma_wait3A_259 = tpu.memref_squeeze %dma_wait3A_258 : memref<1x!tpu.dma_semaphore, #tpu.memory_space<semaphore_mem>> -> memref<!tpu.dma_semaphore, #tpu.memory_space<semaphore_mem>>
    %dma_wait3A_260 = arith.constant 384 : i32
    %dma_wait3A_261 = arith.constant 0 : i32
    %dma_wait3A_262 = tpu.memref_slice %arg5[%dma_wait3A_260, %dma_wait3A_261] : memref<512x22xi32, #tpu.memory_space<vmem>> -> memref<128x22xi32, #tpu.memory_space<vmem>>
    %dma_wait3A_263 = arith.constant 0 : i32
    %dma_wait3A_264 = tpu.memref_slice %arg2[%add3A_48, %dma_wait3A_263] : memref<16384x22xi32, #tpu.memory_space<hbm>> -> memref<128x22xi32, #tpu.memory_space<hbm>>
    tpu.wait_dma2 semaphore(%dma_wait3A_259 : memref<!tpu.dma_semaphore, #tpu.memory_space<semaphore_mem>>) src(%dma_wait3A_264 : memref<128x22xi32, #tpu.memory_space<hbm>>) dst(%dma_wait3A_262 : memref<128x22xi32, #tpu.memory_space<vmem>>)
    %scan3A_265 = arith.constant 0 : i32
    %scan3A_266 = arith.constant 24 : i32
    %scan3A_267 = arith.constant 8 : i32
    %scan3A_268 = arith.addi %scan3A_266, %scan3A_267 : i32
    %scan3A_269 = arith.constant 1 : i32
    scf.for %scan3A_271 = %scan3A_266 to %scan3A_268 step %scan3A_269  : i32 {
      %mul3A_272 = arith.constant 16 : i32
      %mul3A_273 = arith.muli %scan3A_271, %mul3A_272 : i32
      %add3A_274 = vector.broadcast %mul3A_273 : i32 to vector<16xi32>
      %add3A_275 = arith.addi %iota3A, %add3A_274 : vector<16xi32>
      %add3A_276 = arith.constant 0 : i32
      %add3A_277 = vector.broadcast %add3A_276 : i32 to vector<16xi32>
      %add3A_278 = arith.addi %broadcast_in_dim3A_62, %add3A_277 : vector<16xi32>
      %gather3A_279 = tpu.vector_load_idx %arg5[%add3A_275, %add3A_278] : memref<512x22xi32, #tpu.memory_space<vmem>>[vector<16xi32>, vector<16xi32>], vector<16xi32>,
      %add3A_280 = arith.constant 0 : i32
      %add3A_281 = vector.broadcast %add3A_280 : i32 to vector<16xi32>
      %add3A_282 = arith.addi %gather3A_279, %add3A_281 : vector<16xi32>
      %gather3A_283 = tpu.vector_load_idx %arg7[%add3A_282] : memref<176xf32, #tpu.memory_space<vmem>>[vector<16xi32>], vector<16xf32>,
      %add3A_284 = arith.addf %sub3A_192, %gather3A_283 : vector<16xf32>
      %add3A_285 = arith.constant 1 : i32
      %add3A_286 = vector.broadcast %add3A_285 : i32 to vector<16xi32>
      %add3A_287 = arith.addi %broadcast_in_dim3A_62, %add3A_286 : vector<16xi32>
      %gather3A_288 = tpu.vector_load_idx %arg5[%add3A_275, %add3A_287] : memref<512x22xi32, #tpu.memory_space<vmem>>[vector<16xi32>, vector<16xi32>], vector<16xi32>,
      %add3A_289 = arith.constant 7 : i32
      %add3A_290 = vector.broadcast %add3A_289 : i32 to vector<16xi32>
      %add3A_291 = arith.addi %gather3A_288, %add3A_290 : vector<16xi32>
      %gather3A_292 = tpu.vector_load_idx %arg7[%add3A_291] : memref<176xf32, #tpu.memory_space<vmem>>[vector<16xi32>], vector<16xf32>,
      %add3A_293 = arith.addf %broadcast_in_dim3A_196, %gather3A_292 : vector<16xf32>
      %add3A_294 = arith.constant 2 : i32
      %add3A_295 = vector.broadcast %add3A_294 : i32 to vector<16xi32>
      %add3A_296 = arith.addi %broadcast_in_dim3A_62, %add3A_295 : vector<16xi32>
      %gather3A_297 = tpu.vector_load_idx %arg5[%add3A_275, %add3A_296] : memref<512x22xi32, #tpu.memory_space<vmem>>[vector<16xi32>, vector<16xi32>], vector<16xi32>,
      %add3A_298 = arith.constant 13 : i32
      %add3A_299 = vector.broadcast %add3A_298 : i32 to vector<16xi32>
      %add3A_300 = arith.addi %gather3A_297, %add3A_299 : vector<16xi32>
      %gather3A_301 = tpu.vector_load_idx %arg7[%add3A_300] : memref<176xf32, #tpu.memory_space<vmem>>[vector<16xi32>], vector<16xf32>,
      %add3A_302 = arith.addf %add3A_284, %gather3A_301 : vector<16xf32>
      %add3A_303 = arith.constant 3 : i32
      %add3A_304 = vector.broadcast %add3A_303 : i32 to vector<16xi32>
      %add3A_305 = arith.addi %broadcast_in_dim3A_62, %add3A_304 : vector<16xi32>
      %gather3A_306 = tpu.vector_load_idx %arg5[%add3A_275, %add3A_305] : memref<512x22xi32, #tpu.memory_space<vmem>>[vector<16xi32>, vector<16xi32>], vector<16xi32>,
      %add3A_307 = arith.constant 25 : i32
      %add3A_308 = vector.broadcast %add3A_307 : i32 to vector<16xi32>
      %add3A_309 = arith.addi %gather3A_306, %add3A_308 : vector<16xi32>
      %gather3A_310 = tpu.vector_load_idx %arg7[%add3A_309] : memref<176xf32, #tpu.memory_space<vmem>>[vector<16xi32>], vector<16xf32>,
      %add3A_311 = arith.addf %add3A_293, %gather3A_310 : vector<16xf32>
      %add3A_312 = arith.constant 4 : i32
      %add3A_313 = vector.broadcast %add3A_312 : i32 to vector<16xi32>
      %add3A_314 = arith.addi %broadcast_in_dim3A_62, %add3A_313 : vector<16xi32>
      %gather3A_315 = tpu.vector_load_idx %arg5[%add3A_275, %add3A_314] : memref<512x22xi32, #tpu.memory_space<vmem>>[vector<16xi32>, vector<16xi32>], vector<16xi32>,
      %add3A_316 = arith.constant 29 : i32
      %add3A_317 = vector.broadcast %add3A_316 : i32 to vector<16xi32>
      %add3A_318 = arith.addi %gather3A_315, %add3A_317 : vector<16xi32>
      %gather3A_319 = tpu.vector_load_idx %arg7[%add3A_318] : memref<176xf32, #tpu.memory_space<vmem>>[vector<16xi32>], vector<16xf32>,
      %add3A_320 = arith.addf %add3A_302, %gather3A_319 : vector<16xf32>
      %add3A_321 = arith.constant 5 : i32
      %add3A_322 = vector.broadcast %add3A_321 : i32 to vector<16xi32>
      %add3A_323 = arith.addi %broadcast_in_dim3A_62, %add3A_322 : vector<16xi32>
      %gather3A_324 = tpu.vector_load_idx %arg5[%add3A_275, %add3A_323] : memref<512x22xi32, #tpu.memory_space<vmem>>[vector<16xi32>, vector<16xi32>], vector<16xi32>,
      %add3A_325 = arith.constant 40 : i32
      %add3A_326 = vector.broadcast %add3A_325 : i32 to vector<16xi32>
      %add3A_327 = arith.addi %gather3A_324, %add3A_326 : vector<16xi32>
      %gather3A_328 = tpu.vector_load_idx %arg7[%add3A_327] : memref<176xf32, #tpu.memory_space<vmem>>[vector<16xi32>], vector<16xf32>,
      %add3A_329 = arith.addf %add3A_311, %gather3A_328 : vector<16xf32>
      %add3A_330 = arith.constant 6 : i32
      %add3A_331 = vector.broadcast %add3A_330 : i32 to vector<16xi32>
      %add3A_332 = arith.addi %broadcast_in_dim3A_62, %add3A_331 : vector<16xi32>
      %gather3A_333 = tpu.vector_load_idx %arg5[%add3A_275, %add3A_332] : memref<512x22xi32, #tpu.memory_space<vmem>>[vector<16xi32>, vector<16xi32>], vector<16xi32>,
      %add3A_334 = arith.constant 46 : i32
      %add3A_335 = vector.broadcast %add3A_334 : i32 to vector<16xi32>
      %add3A_336 = arith.addi %gather3A_333, %add3A_335 : vector<16xi32>
      %gather3A_337 = tpu.vector_load_idx %arg7[%add3A_336] : memref<176xf32, #tpu.memory_space<vmem>>[vector<16xi32>], vector<16xf32>,
      %add3A_338 = arith.addf %add3A_320, %gather3A_337 : vector<16xf32>
      %add3A_339 = arith.constant 7 : i32
      %add3A_340 = vector.broadcast %add3A_339 : i32 to vector<16xi32>
      %add3A_341 = arith.addi %broadcast_in_dim3A_62, %add3A_340 : vector<16xi32>
      %gather3A_342 = tpu.vector_load_idx %arg5[%add3A_275, %add3A_341] : memref<512x22xi32, #tpu.memory_space<vmem>>[vector<16xi32>, vector<16xi32>], vector<16xi32>,
      %add3A_343 = arith.constant 51 : i32
      %add3A_344 = vector.broadcast %add3A_343 : i32 to vector<16xi32>
      %add3A_345 = arith.addi %gather3A_342, %add3A_344 : vector<16xi32>
      %gather3A_346 = tpu.vector_load_idx %arg7[%add3A_345] : memref<176xf32, #tpu.memory_space<vmem>>[vector<16xi32>], vector<16xf32>,
      %add3A_347 = arith.addf %add3A_329, %gather3A_346 : vector<16xf32>
      %add3A_348 = arith.constant 8 : i32
      %add3A_349 = vector.broadcast %add3A_348 : i32 to vector<16xi32>
      %add3A_350 = arith.addi %broadcast_in_dim3A_62, %add3A_349 : vector<16xi32>
      %gather3A_351 = tpu.vector_load_idx %arg5[%add3A_275, %add3A_350] : memref<512x22xi32, #tpu.memory_space<vmem>>[vector<16xi32>, vector<16xi32>], vector<16xi32>,
      %add3A_352 = arith.constant 55 : i32
      %add3A_353 = vector.broadcast %add3A_352 : i32 to vector<16xi32>
      %add3A_354 = arith.addi %gather3A_351, %add3A_353 : vector<16xi32>
      %gather3A_355 = tpu.vector_load_idx %arg7[%add3A_354] : memref<176xf32, #tpu.memory_space<vmem>>[vector<16xi32>], vector<16xf32>,
      %add3A_356 = arith.addf %add3A_338, %gather3A_355 : vector<16xf32>
      %add3A_357 = arith.constant 9 : i32
      %add3A_358 = vector.broadcast %add3A_357 : i32 to vector<16xi32>
      %add3A_359 = arith.addi %broadcast_in_dim3A_62, %add3A_358 : vector<16xi32>
      %gather3A_360 = tpu.vector_load_idx %arg5[%add3A_275, %add3A_359] : memref<512x22xi32, #tpu.memory_space<vmem>>[vector<16xi32>, vector<16xi32>], vector<16xi32>,
      %add3A_361 = arith.constant 69 : i32
      %add3A_362 = vector.broadcast %add3A_361 : i32 to vector<16xi32>
      %add3A_363 = arith.addi %gather3A_360, %add3A_362 : vector<16xi32>
      %gather3A_364 = tpu.vector_load_idx %arg7[%add3A_363] : memref<176xf32, #tpu.memory_space<vmem>>[vector<16xi32>], vector<16xf32>,
      %add3A_365 = arith.addf %add3A_347, %gather3A_364 : vector<16xf32>
      %add3A_366 = arith.constant 10 : i32
      %add3A_367 = vector.broadcast %add3A_366 : i32 to vector<16xi32>
      %add3A_368 = arith.addi %broadcast_in_dim3A_62, %add3A_367 : vector<16xi32>
      %gather3A_369 = tpu.vector_load_idx %arg5[%add3A_275, %add3A_368] : memref<512x22xi32, #tpu.memory_space<vmem>>[vector<16xi32>, vector<16xi32>], vector<16xi32>,
      %add3A_370 = arith.constant 73 : i32
      %add3A_371 = vector.broadcast %add3A_370 : i32 to vector<16xi32>
      %add3A_372 = arith.addi %gather3A_369, %add3A_371 : vector<16xi32>
      %gather3A_373 = tpu.vector_load_idx %arg7[%add3A_372] : memref<176xf32, #tpu.memory_space<vmem>>[vector<16xi32>], vector<16xf32>,
      %add3A_374 = arith.addf %add3A_356, %gather3A_373 : vector<16xf32>
      %add3A_375 = arith.constant 11 : i32
      %add3A_376 = vector.broadcast %add3A_375 : i32 to vector<16xi32>
      %add3A_377 = arith.addi %broadcast_in_dim3A_62, %add3A_376 : vector<16xi32>
      %gather3A_378 = tpu.vector_load_idx %arg5[%add3A_275, %add3A_377] : memref<512x22xi32, #tpu.memory_space<vmem>>[vector<16xi32>, vector<16xi32>], vector<16xi32>,
      %add3A_379 = arith.constant 82 : i32
      %add3A_380 = vector.broadcast %add3A_379 : i32 to vector<16xi32>
      %add3A_381 = arith.addi %gather3A_378, %add3A_380 : vector<16xi32>
      %gather3A_382 = tpu.vector_load_idx %arg7[%add3A_381] : memref<176xf32, #tpu.memory_space<vmem>>[vector<16xi32>], vector<16xf32>,
      %add3A_383 = arith.addf %add3A_365, %gather3A_382 : vector<16xf32>
      %add3A_384 = arith.constant 12 : i32
      %add3A_385 = vector.broadcast %add3A_384 : i32 to vector<16xi32>
      %add3A_386 = arith.addi %broadcast_in_dim3A_62, %add3A_385 : vector<16xi32>
      %gather3A_387 = tpu.vector_load_idx %arg5[%add3A_275, %add3A_386] : memref<512x22xi32, #tpu.memory_space<vmem>>[vector<16xi32>, vector<16xi32>], vector<16xi32>,
      %add3A_388 = arith.constant 88 : i32
      %add3A_389 = vector.broadcast %add3A_388 : i32 to vector<16xi32>
      %add3A_390 = arith.addi %gather3A_387, %add3A_389 : vector<16xi32>
      %gather3A_391 = tpu.vector_load_idx %arg7[%add3A_390] : memref<176xf32, #tpu.memory_space<vmem>>[vector<16xi32>], vector<16xf32>,
      %add3A_392 = arith.addf %add3A_374, %gather3A_391 : vector<16xf32>
      %add3A_393 = arith.constant 13 : i32
      %add3A_394 = vector.broadcast %add3A_393 : i32 to vector<16xi32>
      %add3A_395 = arith.addi %broadcast_in_dim3A_62, %add3A_394 : vector<16xi32>
      %gather3A_396 = tpu.vector_load_idx %arg5[%add3A_275, %add3A_395] : memref<512x22xi32, #tpu.memory_space<vmem>>[vector<16xi32>, vector<16xi32>], vector<16xi32>,
      %add3A_397 = arith.constant 94 : i32
      %add3A_398 = vector.broadcast %add3A_397 : i32 to vector<16xi32>
      %add3A_399 = arith.addi %gather3A_396, %add3A_398 : vector<16xi32>
      %gather3A_400 = tpu.vector_load_idx %arg7[%add3A_399] : memref<176xf32, #tpu.memory_space<vmem>>[vector<16xi32>], vector<16xf32>,
      %add3A_401 = arith.addf %add3A_383, %gather3A_400 : vector<16xf32>
      %add3A_402 = arith.constant 14 : i32
      %add3A_403 = vector.broadcast %add3A_402 : i32 to vector<16xi32>
      %add3A_404 = arith.addi %broadcast_in_dim3A_62, %add3A_403 : vector<16xi32>
      %gather3A_405 = tpu.vector_load_idx %arg5[%add3A_275, %add3A_404] : memref<512x22xi32, #tpu.memory_space<vmem>>[vector<16xi32>, vector<16xi32>], vector<16xi32>,
      %add3A_406 = arith.constant 105 : i32
      %add3A_407 = vector.broadcast %add3A_406 : i32 to vector<16xi32>
      %add3A_408 = arith.addi %gather3A_405, %add3A_407 : vector<16xi32>
      %gather3A_409 = tpu.vector_load_idx %arg7[%add3A_408] : memref<176xf32, #tpu.memory_space<vmem>>[vector<16xi32>], vector<16xf32>,
      %add3A_410 = arith.addf %add3A_392, %gather3A_409 : vector<16xf32>
      %add3A_411 = arith.constant 15 : i32
      %add3A_412 = vector.broadcast %add3A_411 : i32 to vector<16xi32>
      %add3A_413 = arith.addi %broadcast_in_dim3A_62, %add3A_412 : vector<16xi32>
      %gather3A_414 = tpu.vector_load_idx %arg5[%add3A_275, %add3A_413] : memref<512x22xi32, #tpu.memory_space<vmem>>[vector<16xi32>, vector<16xi32>], vector<16xi32>,
      %add3A_415 = arith.constant 116 : i32
      %add3A_416 = vector.broadcast %add3A_415 : i32 to vector<16xi32>
      %add3A_417 = arith.addi %gather3A_414, %add3A_416 : vector<16xi32>
      %gather3A_418 = tpu.vector_load_idx %arg7[%add3A_417] : memref<176xf32, #tpu.memory_space<vmem>>[vector<16xi32>], vector<16xf32>,
      %add3A_419 = arith.addf %add3A_401, %gather3A_418 : vector<16xf32>
      %add3A_420 = arith.constant 16 : i32
      %add3A_421 = vector.broadcast %add3A_420 : i32 to vector<16xi32>
      %add3A_422 = arith.addi %broadcast_in_dim3A_62, %add3A_421 : vector<16xi32>
      %gather3A_423 = tpu.vector_load_idx %arg5[%add3A_275, %add3A_422] : memref<512x22xi32, #tpu.memory_space<vmem>>[vector<16xi32>, vector<16xi32>], vector<16xi32>,
      %add3A_424 = arith.constant 120 : i32
      %add3A_425 = vector.broadcast %add3A_424 : i32 to vector<16xi32>
      %add3A_426 = arith.addi %gather3A_423, %add3A_425 : vector<16xi32>
      %gather3A_427 = tpu.vector_load_idx %arg7[%add3A_426] : memref<176xf32, #tpu.memory_space<vmem>>[vector<16xi32>], vector<16xf32>,
      %add3A_428 = arith.addf %add3A_410, %gather3A_427 : vector<16xf32>
      %add3A_429 = arith.constant 17 : i32
      %add3A_430 = vector.broadcast %add3A_429 : i32 to vector<16xi32>
      %add3A_431 = arith.addi %broadcast_in_dim3A_62, %add3A_430 : vector<16xi32>
      %gather3A_432 = tpu.vector_load_idx %arg5[%add3A_275, %add3A_431] : memref<512x22xi32, #tpu.memory_space<vmem>>[vector<16xi32>, vector<16xi32>], vector<16xi32>,
      %add3A_433 = arith.constant 126 : i32
      %add3A_434 = vector.broadcast %add3A_433 : i32 to vector<16xi32>
      %add3A_435 = arith.addi %gather3A_432, %add3A_434 : vector<16xi32>
      %gather3A_436 = tpu.vector_load_idx %arg7[%add3A_435] : memref<176xf32, #tpu.memory_space<vmem>>[vector<16xi32>], vector<16xf32>,
      %add3A_437 = arith.addf %add3A_419, %gather3A_436 : vector<16xf32>
      %add3A_438 = arith.constant 18 : i32
      %add3A_439 = vector.broadcast %add3A_438 : i32 to vector<16xi32>
      %add3A_440 = arith.addi %broadcast_in_dim3A_62, %add3A_439 : vector<16xi32>
      %gather3A_441 = tpu.vector_load_idx %arg5[%add3A_275, %add3A_440] : memref<512x22xi32, #tpu.memory_space<vmem>>[vector<16xi32>, vector<16xi32>], vector<16xi32>,
      %add3A_442 = arith.constant 131 : i32
      %add3A_443 = vector.broadcast %add3A_442 : i32 to vector<16xi32>
      %add3A_444 = arith.addi %gather3A_441, %add3A_443 : vector<16xi32>
      %gather3A_445 = tpu.vector_load_idx %arg7[%add3A_444] : memref<176xf32, #tpu.memory_space<vmem>>[vector<16xi32>], vector<16xf32>,
      %add3A_446 = arith.addf %add3A_428, %gather3A_445 : vector<16xf32>
      %add3A_447 = arith.constant 19 : i32
      %add3A_448 = vector.broadcast %add3A_447 : i32 to vector<16xi32>
      %add3A_449 = arith.addi %broadcast_in_dim3A_62, %add3A_448 : vector<16xi32>
      %gather3A_450 = tpu.vector_load_idx %arg5[%add3A_275, %add3A_449] : memref<512x22xi32, #tpu.memory_space<vmem>>[vector<16xi32>, vector<16xi32>], vector<16xi32>,
      %add3A_451 = arith.constant 141 : i32
      %add3A_452 = vector.broadcast %add3A_451 : i32 to vector<16xi32>
      %add3A_453 = arith.addi %gather3A_450, %add3A_452 : vector<16xi32>
      %gather3A_454 = tpu.vector_load_idx %arg7[%add3A_453] : memref<176xf32, #tpu.memory_space<vmem>>[vector<16xi32>], vector<16xf32>,
      %add3A_455 = arith.addf %add3A_437, %gather3A_454 : vector<16xf32>
      %add3A_456 = arith.constant 20 : i32
      %add3A_457 = vector.broadcast %add3A_456 : i32 to vector<16xi32>
      %add3A_458 = arith.addi %broadcast_in_dim3A_62, %add3A_457 : vector<16xi32>
      %gather3A_459 = tpu.vector_load_idx %arg5[%add3A_275, %add3A_458] : memref<512x22xi32, #tpu.memory_space<vmem>>[vector<16xi32>, vector<16xi32>], vector<16xi32>,
      %add3A_460 = arith.constant 152 : i32
      %add3A_461 = vector.broadcast %add3A_460 : i32 to vector<16xi32>
      %add3A_462 = arith.addi %gather3A_459, %add3A_461 : vector<16xi32>
      %gather3A_463 = tpu.vector_load_idx %arg7[%add3A_462] : memref<176xf32, #tpu.memory_space<vmem>>[vector<16xi32>], vector<16xf32>,
      %add3A_464 = arith.addf %add3A_446, %gather3A_463 : vector<16xf32>
      %add3A_465 = arith.constant 21 : i32
      %add3A_466 = vector.broadcast %add3A_465 : i32 to vector<16xi32>
      %add3A_467 = arith.addi %broadcast_in_dim3A_62, %add3A_466 : vector<16xi32>
      %gather3A_468 = tpu.vector_load_idx %arg5[%add3A_275, %add3A_467] : memref<512x22xi32, #tpu.memory_space<vmem>>[vector<16xi32>, vector<16xi32>], vector<16xi32>,
      %add3A_469 = arith.constant 160 : i32
      %add3A_470 = vector.broadcast %add3A_469 : i32 to vector<16xi32>
      %add3A_471 = arith.addi %gather3A_468, %add3A_470 : vector<16xi32>
      %gather3A_472 = tpu.vector_load_idx %arg7[%add3A_471] : memref<176xf32, #tpu.memory_space<vmem>>[vector<16xi32>], vector<16xf32>,
      %add3A_473 = arith.addf %add3A_455, %gather3A_472 : vector<16xf32>
      %add3A_474 = arith.addf %add3A_464, %add3A_473 : vector<16xf32>
      %abs3A = math.absf %add3A_474 : vector<16xf32>
      %sub3A_475 = arith.subf %broadcast_in_dim3A_196, %abs3A : vector<16xf32>
      %exp3A = math.exp %sub3A_475 : vector<16xf32>
      %add3A_476 = arith.addf %broadcast_in_dim3A_194, %exp3A : vector<16xf32>
      %div3A = arith.divf %broadcast_in_dim3A_194, %add3A_476 : vector<16xf32>
      %sub3A_477 = arith.subf %broadcast_in_dim3A_194, %div3A : vector<16xf32>
      %gt3A = arith.cmpf ogt, %add3A_474, %broadcast_in_dim3A_196 : vector<16xf32>
      %select_n3A = arith.select %gt3A, %sub3A_477, %div3A : vector<16xi1>, vector<16xf32>
      %select_n3A_478 = arith.select %gt3A, %div3A, %sub3A_477 : vector<16xi1>, vector<16xf32>
      tpu.vector_store_idx %arg8[%add3A_275, %broadcast_in_dim3A_62], %select_n3A : memref<512x2xf32, #tpu.memory_space<vmem>>[vector<16xi32>, vector<16xi32>], vector<16xf32>,
      %add3A_479 = arith.constant 1 : i32
      %add3A_480 = vector.broadcast %add3A_479 : i32 to vector<16xi32>
      %add3A_481 = arith.addi %broadcast_in_dim3A_62, %add3A_480 : vector<16xi32>
      tpu.vector_store_idx %arg8[%add3A_275, %add3A_481], %select_n3A_478 : memref<512x2xf32, #tpu.memory_space<vmem>>[vector<16xi32>, vector<16xi32>], vector<16xf32>,
    }
    %scan3A_270 = arith.constant 8 : i32
    "tpu.region"() ({
      %run_scoped3A = tpu.sem_alloc : memref<!tpu.dma_semaphore, #tpu.memory_space<semaphore_mem>>
      %dma_start3A_271 = arith.constant 0 : i32
      %dma_start3A_272 = tpu.memref_slice %arg4[%mul3A_2, %dma_start3A_271] : memref<16384x2xf32, #tpu.memory_space<hbm>> -> memref<512x2xf32, #tpu.memory_space<hbm>>
      %dma_start3A_273 = arith.constant 0 : i32
      %dma_start3A_274 = tpu.memref_slice %arg4[%mul3A_2, %dma_start3A_273] : memref<16384x2xf32, #tpu.memory_space<hbm>> -> memref<512x2xf32, #tpu.memory_space<hbm>>
      tpu.enqueue_dma source(%arg8 : memref<512x2xf32, #tpu.memory_space<vmem>>) target(%dma_start3A_274 : memref<512x2xf32, #tpu.memory_space<hbm>>) target_semaphore(%run_scoped3A : memref<!tpu.dma_semaphore, #tpu.memory_space<semaphore_mem>>)
      %dma_wait3A_275 = arith.constant 0 : i32
      %dma_wait3A_276 = tpu.memref_slice %arg4[%mul3A_2, %dma_wait3A_275] : memref<16384x2xf32, #tpu.memory_space<hbm>> -> memref<512x2xf32, #tpu.memory_space<hbm>>
      %dma_wait3A_277 = arith.constant 0 : i32
      %dma_wait3A_278 = tpu.memref_slice %arg4[%mul3A_2, %dma_wait3A_277] : memref<16384x2xf32, #tpu.memory_space<hbm>> -> memref<512x2xf32, #tpu.memory_space<hbm>>
      tpu.wait_dma2 semaphore(%run_scoped3A : memref<!tpu.dma_semaphore, #tpu.memory_space<semaphore_mem>>) src(%arg8 : memref<512x2xf32, #tpu.memory_space<vmem>>) dst(%dma_wait3A_278 : memref<512x2xf32, #tpu.memory_space<hbm>>)
      tpu.yield
    }) : () -> ()
    return
  }
}

</mosaic_0001>

<sc_bundles>
// kernel: _run.3.cloned.1.call-start
scs
__scs_entry_jumppad:
0x0: {  	(pc) =	sbr.rel $0x88, $3  }
0x1: {  	(tag) =	ssettag $0x0;
	lr =	simm.s32 $0x1  }
0x2: {  	[smem:$0x3F9F] =	sst lr;
	_ =	strace $0xD0000000  }
0x3: {  	_ = 	snop  }
0x4: {  	_ = 	snop  }
0x5: {  	_ = 	snop  }
0x6: {  	_ = 	snop  }
0x7: {  	_ = 	snop  }
__scs_overlays_trampoline_lowered:
0x8: {  	[smem:$0x3FAE] =	sst s0  }
0x9: {  	[smem:$0x3FAF] =	sst s1  }
0xa: {  	[smem:$0x3FB0] =	sst s2  }
0xb: {  	[smem:$0x3FB1] =	sst s3  }
0xc: {  	[smem:$0x3FB2] =	sst s4  }
0xd: {  	[smem:$0x3FB3] =	sst s5  }
0xe: {  	[smem:$0x3FB4] =	sst s6  }
0xf: {  	[smem:$0x3FB5] =	sst s7  }
0x10: {  	[smem:$0x3FB6] =	sst s8  }
0x11: {  	[smem:$0x3FB7] =	sst s9;
	s0 =	simm.s32 @!p0 $0x0  }
0x12: {  	s1 =	sld [smem:$0x3F9D];
	s0 =	simm.s32 @p0 $0x1  }
0x13: {  	[smem:$0x3FB8] =	sst s0;
	s0 =	simm.s32 @!p1 $0x0  }
0x14: {  	s2 =	sld [smem:$0x3F9C];
	s0 =	simm.s32 @p1 $0x1  }
0x15: {  	[smem:$0x3FB9] =	sst s0;
	s0 =	simm.s32 @!p2 $0x0  }
0x16: {  	s3 =	sld [smem:$0x3FDB];
	s0 =	simm.s32 @p2 $0x1  }
0x17: {  	s4 =	simm.s32 $0x1BF5;
	[smem:$0x3FBB] =	sst s0  }
0x18: {  	s0 =	sld [smem:$0x3F9E];
	_ =	swait.ge [sflag:s4], $0x0  }
0x19: {  	s7 =	sld [smem:$0x3F9F]  }
0x1a: {  	s8 =	sadd.s32 $0xFFFFE003, lr  }
0x1b: {  	s9 =	sadd.s32 $0xFFFFFEF7, lr;
	s5 =	simm.s32 $0xFFFFFFFF;
	p2 =	slt.u32 s8, $0xFFFFF086  }
0x1c: {  	p1 =	slt.u32 s9, $0xF7A;
	s5 =	simm.s32 @!p2 $0x0  }
0x1d: {  	s5 =	simm.s32 @p1 $0x1;
	p0 =	seq.s32 s7, s2  }
0x1e: {  	s7 =	smul.u32 @!p0 $0xF7A, s2;
	p2 =	seq.s32 @!p0 s5, $0x0  }
0x1f: {  	s9 =	smul.u32 $0xF7A, s1;
	s8 =	simm.s32 @!p0 $0x1BF5;
	p2 =	por !p2, p0  }
0x20: {  	[sflag:s8] =	ssyncset.s32 @!p0 $0xFFFFF086;
	s6 =	sadd.s32 @!p0 s3, s7;
	s7 =	simm.s32 @!p0 $0x108  }
0x21: {  	s3 =	sadd.s32 s3, s9;
	s6 =	sadd.s32 @!p0 $0x88, s6;
	s7 =	simm.s32 @p2 $0x1082  }
0x22: {  	[simem:s7], [sflag:s8] =	dma.local @!p0 [hbm:s6], $0xF7A  }
0x23: {  	s9 =	sor.u32 $0xD0000000, s2;
	s6 =	simm.s32 $0x108;
	_ =	swait.ge @!p0 [sflag:s8], $0x0  }
0x24: {  	s3 =	sadd.s32 $0x88, s3;
	s6 =	simm.s32 @!p1 $0x1082;
	[sflag:s4] =	ssyncset.s32 $0xFFFFF086  }
0x25: {  	[simem:s6], [sflag:s4] =	dma.local [hbm:s3], $0xF7A  }
0x26: {  	[smem:$0x3F9F] =	sst s1;
	(tag) =	ssettag s2;
	_ =	strace s9  }
0x27: {  	s1 =	sld [smem:$0x3FAF]  }
0x28: {  	s2 =	sld [smem:$0x3FB0]  }
0x29: {  	s4 =	sld [smem:$0x3FB2]  }
0x2a: {  	p0 =	seq.s32 s5, $0x0;
	s5 =	sld [smem:$0x3FB3]  }
0x2b: {  	s6 =	sld [smem:$0x3FB4]  }
0x2c: {  	s7 =	sld [smem:$0x3FB5]  }
0x2d: {  	s3 =	simm.s32 $0x108;
	s8 =	sld [smem:$0x3FB6]  }
0x2e: {  	s3 =	simm.s32 @!p0 $0x1082;
	s9 =	sld [smem:$0x3FB7]  }
0x2f: {  	lr =	sadd.s32 s0, s3;
	s0 =	sld [smem:$0x3FAE]  }
0x30: {  	s3 =	sld [smem:$0x3FB1]  }
0x31: {  	[smem:$0x3FBA] =	sst s10  }
0x32: {  	s10 =	sld [smem:$0x3FB8];
	_ =	sdelay $0x3  }
0x33: {  	p0 =	seq.s32 s10, $0x1;
	s10 =	sld [smem:$0x3FBA];
	_ =	sdelay $0x3  }
0x34: {  	[smem:$0x3FBA] =	sst s10  }
0x35: {  	s10 =	sld [smem:$0x3FB9];
	_ =	sdelay $0x3  }
0x36: {  	p1 =	seq.s32 s10, $0x1;
	s10 =	sld [smem:$0x3FBA];
	_ =	sdelay $0x3  }
0x37: {  	[smem:$0x3FBA] =	sst s10  }
0x38: {  	s10 =	sld [smem:$0x3FBB]  }
0x39: {  	_ = 	snop;
	(pc) =	sbr.ind lr, $3  }
0x3a: {  	_ = 	snop  }
0x3b: {  	_ = 	snop  }
0x3c: {  	p2 =	seq.s32 s10, $0x1;
	s10 =	sld [smem:$0x3FBA]  }
0x3d: {  	_ =	shalt  }
0x3e: {  	_ =	shalt  }
0x3f: {  	_ =	shalt  }
0x40: {  	_ =	shalt  }
0x41: {  	_ =	shalt  }
0x42: {  	_ =	shalt  }
0x43: {  	_ =	shalt  }
0x44: {  	_ =	shalt  }
0x45: {  	_ =	shalt  }
0x46: {  	_ =	shalt  }
0x47: {  	_ =	shalt  }
0x48: {  	_ =	shalt  }
0x49: {  	_ =	shalt  }
0x4a: {  	_ =	shalt  }
0x4b: {  	_ =	shalt  }
0x4c: {  	_ =	shalt  }
0x4d: {  	_ =	shalt  }
0x4e: {  	_ =	shalt  }
0x4f: {  	_ =	shalt  }
0x50: {  	_ =	shalt  }
0x51: {  	_ =	shalt  }
0x52: {  	_ =	shalt  }
0x53: {  	_ =	shalt  }
0x54: {  	_ =	shalt  }
0x55: {  	_ =	shalt  }
0x56: {  	_ =	shalt  }
0x57: {  	_ =	shalt  }
0x58: {  	_ =	shalt  }
0x59: {  	_ =	shalt  }
0x5a: {  	_ =	shalt  }
0x5b: {  	_ =	shalt  }
0x5c: {  	_ =	shalt  }
0x5d: {  	_ =	shalt  }
0x5e: {  	_ =	shalt  }
0x5f: {  	_ =	shalt  }
0x60: {  	_ =	shalt  }
0x61: {  	_ =	shalt  }
0x62: {  	_ =	shalt  }
0x63: {  	_ =	shalt  }
0x64: {  	_ =	shalt  }
0x65: {  	_ =	shalt  }
0x66: {  	_ =	shalt  }
0x67: {  	_ =	shalt  }
0x68: {  	_ =	shalt  }
0x69: {  	_ =	shalt  }
0x6a: {  	_ =	shalt  }
0x6b: {  	_ =	shalt  }
0x6c: {  	_ =	shalt  }
0x6d: {  	_ =	shalt  }
0x6e: {  	_ =	shalt  }
0x6f: {  	_ =	shalt  }
0x70: {  	_ =	shalt  }
0x71: {  	_ =	shalt  }
0x72: {  	_ =	shalt  }
0x73: {  	_ =	shalt  }
0x74: {  	_ =	shalt  }
0x75: {  	_ =	shalt  }
0x76: {  	_ =	shalt  }
0x77: {  	_ =	shalt  }
0x78: {  	_ =	shalt  }
0x79: {  	_ =	shalt  }
0x7a: {  	_ =	shalt  }
0x7b: {  	_ =	shalt  }
0x7c: {  	_ =	shalt  }
0x7d: {  	_ =	shalt  }
0x7e: {  	_ =	shalt  }
0x7f: {  	_ =	shalt  }
0x80: {  	_ =	shalt  }
0x81: {  	_ =	shalt  }
0x82: {  	_ =	shalt  }
0x83: {  	_ =	shalt  }
0x84: {  	_ =	shalt  }
0x85: {  	_ =	shalt  }
0x86: {  	_ =	shalt  }
0x87: {  	_ =	shalt  }
.Lfunc_end0:
.L_simem_size_0:
called_computation_lowered:
.L_overlay_start_0:
0x88: {  	s2 =	sld [smem:$0x3FD9]  }
0x89: {  	s3 =	sld [smem:$0x3FFE];
	_ =	sdelay $0x1  }
0x8a: {  	s1 =	srdreg.scid  }
0x8b: {  	s0 =	sand.u32 $0x1, s1  }
0x8c: {  	s17 =	sshll.u32 s0, $0xA;
	s2 =	sadd.s32 s3, s2  }
0x8d: {  	s2 =	sadd.s32 s2, s17  }
0x8e: {  	[smem:$0x3FC6] =	sst s2  }
0x8f: {  	_ = 	snop  }
0x90: {  	s2 =	sld [smem:$0x3FC8];
	(tm) =	ssettm $0x1  }
0x91: {  	s18 =	sld [smem:$0x3FFB];
	_ =	sdelay $0x3  }
0x92: {  	_ =	strace s18  }
0x93: {  	s3 =	sld [smem:$0x3FFC];
	_ =	sdelay $0x3  }
0x94: {  	_ =	strace s3  }
0x95: {  	s3 =	sld [smem:$0x3FFD];
	_ =	sdelay $0x3  }
0x96: {  	_ =	strace s3  }
0x97: {  	_ =	strace $0x8FFFFFFF  }
0x98: {  	s19 =	sld [smem:$0x3FDB];
	_ =	sdelay $0x1  }
0x99: {  	s4 =	simm.s32 $_scs_section_size  }
0x9a: {  	s5 =	simm.s32 $_size__tile_overlayer_lowered;
	s6 =	simm.s32 $_tile_overlayer_lowered  }
0x9b: {  	s22 =	simm.s32 $0x1BFF;
	s21 =	sshll.u32 s6, $0x1;
	s3 =	sadd.s32 s4, s19  }
0x9c: {  	s7 =	simm.s32 $0x0;
	s20 =	sshll.u32 s5, $0x1;
	s5 =	sadd.s32 s21, s3  }
0x9d: {  	[timem:s7], [sflag:s22] =	dma.local [hbm:s5], s20  }
0x9e: {  	_ =	swait.ge [sflag:s22], s20  }
0x9f: {  	s4 =	ssub.s32 $0x0, s20;
	[sflag:s22] =	ssyncset.done $0x0  }
0xa0: {  	[sflag:s22] =	ssyncadd.s32 s4;
	_ =	sdelay $0x1  }
0xa1: {  	s23 =	simm.s32 $0x1B8B  }
0xa2: {  	_ =	swait.ge [sflag:s23], $0x1  }
0xa3: {  	[sflag:s23] =	ssyncset.done $0x0  }
0xa4: {  	s25 =	simm.s32 $0x1B8E;
	s24 =	sld [smem:$0x3FFE];
	[sflag:s23] =	ssyncadd.s32 $0xFFFFFFFF  }
0xa5: {  	s26 =	simm.s32 $execute0_lowered;
	[smem:$0x3FD2] =	sst s25  }
0xa6: {  	s5 =	sshll.u32 s26, $0x1;
	_ =	strace $0x80000046;
	[dreg:$0x1] =	wrdreg $0xFFFFFFFF  }
0xa7: {  	s28 =	simm.s32 $_size_execute0_lowered;
	s3 =	sadd.s32 s3, s5;
	[dreg:$0x0] =	wrdreg $0x0  }
0xa8: {  	s5 =	sshll.u32 s28, $0x1;
	[dreg:$0x2] =	wrdreg s3  }
0xa9: {  	[dreg:$0x3] =	wrdreg s5  }
0xaa: {  	[dreg:$0x4] =	wrdreg $0xC0  }
0xab: {  	_ =	task [dreg:s7], $0x5FFFF  }
0xac: {  	[dreg:$0x1] =	wrdreg $0xFFFFFFFF  }
0xad: {  	[dreg:$0x0] =	wrdreg $0x60  }
0xae: {  	[dreg:$0x2] =	wrdreg s24  }
0xaf: {  	[dreg:$0x3] =	wrdreg s2  }
0xb0: {  	[dreg:$0x4] =	wrdreg $0x9  }
0xb1: {  	_ =	task.clear_ibuf [dreg:s7], $0x5FFFF;
	_ =	strace $0x90000046  }
0xb2: {  	s29 =	simm.s32 $0x9;
	_ =	strace $0x80000048  }
0xb3: {  	_ =	swait.ge [sflag:s29], $0x1  }
0xb4: {  	[sflag:s29] =	ssyncadd.s32 $0xFFFFFFFF  }
0xb5: {  	_ =	strace $0x90000048  }
0xb6: {  	_ =	sfence  }
0xb7: {  	s30 =	sld [smem:$0x0];
	_ =	sdelay $0x2  }
0xb8: {  	s31 =	sshll.u32 s1, $0xD;
	s1 =	sshrl.u32 s1, $0x2  }
0xb9: {  	s3 =	sand.u32 $0x4000, s31;
	s1 =	sadd.s32 s1, s30  }
0xba: {  	s0 =	sor.u32 s3, s0;
	s1 =	sshll.u32 s1, $0x11  }
0xbb: {  	s0 =	sor.u32 s1, s0  }
0xbc: {  	s0 =	sadd.s32 $0x8F2B, s0  }
0xbd: {  	[sflag:s0] =	ssyncadd.remote.s32 $0x1  }
0xbe: {  	_ =	sfence.sel $0xFFFF  }
0xbf: {  	[dreg:$0x0] =	wrdreg $0xFFFFFFFF;
	(pc) =	sbr.abs _section_cstart, $3  }
0xc0: {  	[dreg:$0x1] =	wrdreg $0xFFFFFFFF  }
0xc1: {  	_ =	task.clear_ibuf [dreg:s7], $0x2FFFF;
	_ =	strace $0x9FFFFFFF  }
0xc2: {  	(tm) =	ssettm $0x7FFFFFFF  }
0xc3: {  	_ =	shalt  }
tec
execute0_lowered:
.L_overlay_start_1:
0x0: {  	(tag) =	ssettag $0x1  }
0x1: {  	s1 =	srdreg.scid  }
0x2: {  	s4 =	rddreg [dreg:$0x0];
	s0 =	stileid.u32  }
0x3: {  	s2 =	rddreg [dreg:$0x1];
	s3 =	simm.s32 $0x0;
	s11 =	simm.s32 $0x1800  }
0x4: {  	s12 =	simm.s32 $0x2400;
	s13 =	simm.s32 $0x3000;
	s14 =	simm.s32 $0x5  }
0x5: {  	v0 =	vlaneseq.u32;
	s15 =	simm.s32 $0x1;
	s16 =	simm.s32 $0x3160;
	s17 =	simm.s32 $0x3210  }
0x6: {  	s18 =	simm.s32 $0x2;
	s19 =	simm.s32 $0x3;
	s5 =	sand.u32 $0x1, s1;
	v1 =	vmul.u32 $0x2, v0  }
0x7: {  	v23 =	vimm.s32 $0x153;
	v24 =	vimm.s32 $0x152;
	s20 =	simm.s32 $0x4;
	s6 =	sshll.u32 s0, $0xA;
	s7 =	sshll.u32 s5, $0x9  }
0x8: {  	s21 =	simm.s32 $0x0;
	s1 =	rddreg [dreg:$0x2];
	s6 =	sor.u32 s7, s6;
	v2 =	vor.u32 $0x1, v1;
	v3 =	vor.u32 $0x20, v1;
	v4 =	vor.u32 $0x21, v1  }
0x9: {  	[smem:$0x7FF] =	sst s3;
	s8 =	sadd.s32 $0x400, s4;
	v5 =	vor.u32 $0x40, v1;
	v6 =	vor.u32 $0x41, v1;
	v7 =	vor.u32 $0x60, v1;
	s7 =	smul.u32 $0x18, s6  }
0xa: {  	_ =	strace $0x80000047;
	s5 =	ssub.s32 $0x2, s5;
	v8 =	vor.u32 $0x61, v1;
	v9 =	vor.u32 $0x80, v1;
	v10 =	vor.u32 $0x81, v1;
	s9 =	smul.u32 $0x3, s6  }
0xb: {  	s30 =	sshrl.u32 s5, $0x1;
	v11 =	vor.u32 $0xA0, v1;
	v12 =	vor.u32 $0xA1, v1;
	v13 =	vor.u32 $0xC0, v1;
	s10 =	sadd.s32 s6, s4;
	s29 =	sshrl.u32 s7, $0x3  }
0xc: {  	v14 =	vor.u32 $0xC1, v1;
	v15 =	vor.u32 $0xE0, v1;
	v16 =	vor.u32 $0xE1, v1;
	s31 =	ssub.s32 s5, s30;
	s4 =	sadd.s32 s8, s9;
	s8 =	sadd.s32 s8, s29  }
0xd: {  	v17 =	vor.u32 $0x100, v1;
	v18 =	vor.u32 $0x101, v1;
	v19 =	vor.u32 $0x120, v1;
	s9 =	smax.u32 s31, $0x1;
	s5 =	sadd.s32 $0x180, s4;
	s6 =	sadd.s32 $0x300, s8  }
0xe: {  	v20 =	vor.u32 $0x121, v1;
	v21 =	vor.u32 $0x140, v1;
	v22 =	vor.u32 $0x141, v1;
	s7 =	sadd.s32 $0x480, s8;
	s8 =	sadd.s32 $0xC400, s10;
	s10 =	simm.s32 $0xC00  }
.LBB2_1:
0xf: {  	[tilespmem:s3], [sflag:$0x1] =	stream.linear.gather [hbm4b:s4+s3], $0xC00, $0x38;
	[tilespmem:$0x4210] =	vst v63  }
0x10: {  	_ = 	snop  }
0x11: {  	[tilespmem:s10], [sflag:$0x2] =	stream.linear.gather [hbm4b:s5+s3], $0xC00, $0x38;
	[tilespmem:$0x4210] =	vst v63  }
0x12: {  	_ = 	snop  }
0x13: {  	[tilespmem:s11], [sflag:$0x3] =	stream.linear.gather [hbm4b:s6+s3], $0xC00, $0x38;
	[tilespmem:$0x4210] =	vst v63  }
0x14: {  	_ = 	snop  }
0x15: {  	[tilespmem:s12], [sflag:$0x4] =	stream.linear.gather [hbm4b:s7+s3], $0xC00, $0x38;
	[tilespmem:$0x4210] =	vst v63  }
0x16: {  	_ = 	snop  }
0x17: {  	[tilespmem:s13], [sflag:$0x5] =	stream.linear.gather [hbm4b:s2+s3], $0x160, $0x38;
	[tilespmem:$0x4210] =	vst v63  }
0x18: {  	_ =	swait.ge [sflag:s14], $0x160  }
0x19: {  	[sflag:s14] =	ssyncset.done $0x0  }
0x1a: {  	[sflag:s14] =	ssyncadd.s32 $0xFFFFFEA0  }
0x1b: {  	v25 =	vld.idx.msk [tilespmem:v1+s13+$0x0], $0xffff  }
0x1c: {  	v26 =	vld.idx.msk [tilespmem:v2+s13+$0x0], $0xffff;
	_ =	sdelay $0x4  }
0x1d: {  	v25 =	vsub.f32 v26, v25;
	_ =	sdelay $0x1  }
0x1e: {  	[tilespmem:$0x3160] =	vst v25  }
0x1f: {  	v25 =	vld.idx.msk [tilespmem:v3+s13+$0x0], $0xffff  }
0x20: {  	v26 =	vld.idx.msk [tilespmem:v4+s13+$0x0], $0xffff;
	_ =	sdelay $0x4  }
0x21: {  	v25 =	vsub.f32 v26, v25;
	_ =	sdelay $0x1  }
0x22: {  	[tilespmem:$0x3170] =	vst v25  }
0x23: {  	v25 =	vld.idx.msk [tilespmem:v5+s13+$0x0], $0xffff  }
0x24: {  	v26 =	vld.idx.msk [tilespmem:v6+s13+$0x0], $0xffff;
	_ =	sdelay $0x4  }
0x25: {  	v25 =	vsub.f32 v26, v25;
	_ =	sdelay $0x1  }
0x26: {  	[tilespmem:$0x3180] =	vst v25  }
0x27: {  	v25 =	vld.idx.msk [tilespmem:v7+s13+$0x0], $0xffff  }
0x28: {  	v26 =	vld.idx.msk [tilespmem:v8+s13+$0x0], $0xffff;
	_ =	sdelay $0x4  }
0x29: {  	v25 =	vsub.f32 v26, v25;
	_ =	sdelay $0x1  }
0x2a: {  	[tilespmem:$0x3190] =	vst v25  }
0x2b: {  	v25 =	vld.idx.msk [tilespmem:v9+s13+$0x0], $0xffff  }
0x2c: {  	v26 =	vld.idx.msk [tilespmem:v10+s13+$0x0], $0xffff;
	_ =	sdelay $0x4  }
0x2d: {  	v25 =	vsub.f32 v26, v25;
	_ =	sdelay $0x1  }
0x2e: {  	[tilespmem:$0x31A0] =	vst v25  }
0x2f: {  	v25 =	vld.idx.msk [tilespmem:v11+s13+$0x0], $0xffff  }
0x30: {  	v26 =	vld.idx.msk [tilespmem:v12+s13+$0x0], $0xffff;
	_ =	sdelay $0x4  }
0x31: {  	v25 =	vsub.f32 v26, v25;
	_ =	sdelay $0x1  }
0x32: {  	[tilespmem:$0x31B0] =	vst v25  }
0x33: {  	v25 =	vld.idx.msk [tilespmem:v13+s13+$0x0], $0xffff  }
0x34: {  	v26 =	vld.idx.msk [tilespmem:v14+s13+$0x0], $0xffff;
	_ =	sdelay $0x4  }
0x35: {  	v25 =	vsub.f32 v26, v25;
	_ =	sdelay $0x1  }
0x36: {  	[tilespmem:$0x31C0] =	vst v25  }
0x37: {  	v25 =	vld.idx.msk [tilespmem:v15+s13+$0x0], $0xffff  }
0x38: {  	v26 =	vld.idx.msk [tilespmem:v16+s13+$0x0], $0xffff;
	_ =	sdelay $0x4  }
0x39: {  	v25 =	vsub.f32 v26, v25;
	_ =	sdelay $0x1  }
0x3a: {  	[tilespmem:$0x31D0] =	vst v25  }
0x3b: {  	v25 =	vld.idx.msk [tilespmem:v17+s13+$0x0], $0xffff  }
0x3c: {  	v26 =	vld.idx.msk [tilespmem:v18+s13+$0x0], $0xffff;
	_ =	sdelay $0x4  }
0x3d: {  	v25 =	vsub.f32 v26, v25;
	_ =	sdelay $0x1  }
0x3e: {  	[tilespmem:$0x31E0] =	vst v25  }
0x3f: {  	v25 =	vld.idx.msk [tilespmem:v19+s13+$0x0], $0xffff  }
0x40: {  	v26 =	vld.idx.msk [tilespmem:v20+s13+$0x0], $0xffff;
	_ =	sdelay $0x4  }
0x41: {  	v25 =	vsub.f32 v26, v25;
	_ =	sdelay $0x1  }
0x42: {  	[tilespmem:$0x31F0] =	vst v25  }
0x43: {  	v25 =	vld.idx.msk [tilespmem:v21+s13+$0x0], $0xffff  }
0x44: {  	v26 =	vld.idx.msk [tilespmem:v22+s13+$0x0], $0xffff;
	_ =	sdelay $0x4  }
0x45: {  	v25 =	vsub.f32 v26, v25;
	v26 =	vor.u32 s3, v0  }
0x46: {  	v33 =	vmul.u32 $0x18, v26;
	_ =	sdelay $0x1  }
0x47: {  	[tilespmem:$0x3200] =	vst v25;
	v27 =	vadd.s32 $0x15, v33  }
0x48: {  	v25 =	vld.idx.msk [tilespmem:v23+s13+$0x0], $0xffff;
	v29 =	vadd.s32 $0x14, v33  }
0x49: {  	v31 =	vld.idx.msk [tilespmem:v24+s13+$0x0], $0xffff;
	_ =	swait.ge [sflag:s15], $0xC00;
	v30 =	vadd.s32 $0x13, v33  }
0x4a: {  	v35 =	vadd.s32 $0x11, v33;
	[sflag:s15] =	ssyncset.done $0x0  }
0x4b: {  	v32 =	vadd.s32 $0x12, v33;
	[sflag:s15] =	ssyncadd.s32 $0xFFFFF400  }
0x4c: {  	v39 =	vadd.s32 $0x10, v33;
	v28 =	vld.idx.msk [tilespmem:v27+s3+$0x0], $0xffff  }
0x4d: {  	v37 =	vadd.s32 $0xF, v33;
	v27 =	vld.idx.msk [tilespmem:v29+s3+$0x0], $0xffff  }
0x4e: {  	v34 =	vadd.s32 $0xE, v33;
	v30 =	vld.idx.msk [tilespmem:v30+s3+$0x0], $0xffff  }
0x4f: {  	v25 =	vsub.f32 v25, v31;
	v31 =	vld.idx.msk [tilespmem:v35+s3+$0x0], $0xffff;
	v35 =	vadd.s32 $0xD, v33  }
0x50: {  	v38 =	vadd.s32 $0xC, v33;
	v29 =	vld.idx.msk [tilespmem:v32+s3+$0x0], $0xffff  }
0x51: {  	s22 =	simm.s32 $0x10;
	v36 =	vadd.s32 $0xB, v33;
	v32 =	vld.idx.msk [tilespmem:v39+s3+$0x0], $0xffff  }
.LBB2_2:
0x52: {  	p0 =	sne.s32 s22, $0x70;
	v39 =	vor.u32 $0x3, v33;
	v37 =	vld.idx.msk [tilespmem:v37+s3+$0x0], $0xffff  }
0x53: {  	v40 =	vor.u32 $0x1, v33;
	v34 =	vld.idx.msk [tilespmem:v34+s3+$0x0], $0xffff  }
0x54: {  	v41 =	vor.u32 $0x2, v33;
	v35 =	vld.idx.msk [tilespmem:v35+s3+$0x0], $0xffff  }
0x55: {  	v38 =	vld.idx.msk [tilespmem:v38+s3+$0x0], $0xffff  }
0x56: {  	v42 =	vor.u32 $0x5, v33;
	v36 =	vld.idx.msk [tilespmem:v36+s3+$0x0], $0xffff  }
0x57: {  	v43 =	vor.u32 $0x4, v33;
	v39 =	vld.idx.msk [tilespmem:v39+s3+$0x0], $0xffff  }
0x58: {  	v44 =	vor.u32 $0x7, v33;
	v40 =	vld.idx.msk [tilespmem:v40+s3+$0x0], $0xffff  }
0x59: {  	v45 =	vor.u32 $0x6, v33;
	v41 =	vld.idx.msk [tilespmem:v41+s3+$0x0], $0xffff  }
0x5a: {  	v47 =	vadd.s32 $0x9, v33;
	v46 =	vld.idx.msk [tilespmem:v33+s3+$0x0], $0xffff  }
0x5b: {  	v48 =	vadd.s32 $0x8, v33;
	v42 =	vld.idx.msk [tilespmem:v42+s3+$0x0], $0xffff  }
0x5c: {  	v33 =	vadd.s32 $0xA, v33;
	v43 =	vld.idx.msk [tilespmem:v43+s3+$0x0], $0xffff  }
0x5d: {  	v44 =	vld.idx.msk [tilespmem:v44+s3+$0x0], $0xffff  }
0x5e: {  	v40 =	vadd.s32 $0x7, v40;
	v45 =	vld.idx.msk [tilespmem:v45+s3+$0x0], $0xffff  }
0x5f: {  	v39 =	vadd.s32 $0x19, v39;
	v47 =	vld.idx.msk [tilespmem:v47+s3+$0x0], $0xffff  }
0x60: {  	v41 =	vadd.s32 $0xD, v41;
	v48 =	vld.idx.msk [tilespmem:v48+s3+$0x0], $0xffff  }
0x61: {  	v42 =	vadd.s32 $0x28, v42;
	v33 =	vld.idx.msk [tilespmem:v33+s3+$0x0], $0xffff  }
0x62: {  	v43 =	vadd.s32 $0x1D, v43;
	v46 =	vld.idx.msk [tilespmem:v46+s16+$0x0], $0xffff  }
0x63: {  	v44 =	vadd.s32 $0x33, v44;
	v40 =	vld.idx.msk [tilespmem:v40+s16+$0x0], $0xffff  }
0x64: {  	v45 =	vadd.s32 $0x2E, v45;
	v39 =	vld.idx.msk [tilespmem:v39+s16+$0x0], $0xffff  }
0x65: {  	v47 =	vadd.s32 $0x45, v47;
	v41 =	vld.idx.msk [tilespmem:v41+s16+$0x0], $0xffff  }
0x66: {  	v48 =	vadd.s32 $0x37, v48;
	v42 =	vld.idx.msk [tilespmem:v42+s16+$0x0], $0xffff  }
0x67: {  	v36 =	vadd.s32 $0x52, v36;
	v43 =	vld.idx.msk [tilespmem:v43+s16+$0x0], $0xffff  }
0x68: {  	v33 =	vadd.s32 $0x49, v33;
	v44 =	vld.idx.msk [tilespmem:v44+s16+$0x0], $0xffff  }
0x69: {  	v35 =	vadd.s32 $0x5E, v35;
	v46 =	vadd.f32 v46, v25;
	v40 =	vadd.f32 $0.0e+00, v40;
	v45 =	vld.idx.msk [tilespmem:v45+s16+$0x0], $0xffff  }
0x6a: {  	v38 =	vadd.s32 $0x58, v38;
	v47 =	vld.idx.msk [tilespmem:v47+s16+$0x0], $0xffff  }
0x6b: {  	v37 =	vadd.s32 $0x74, v37;
	v41 =	vadd.f32 v41, v46;
	v39 =	vadd.f32 v39, v40;
	v40 =	vld.idx.msk [tilespmem:v48+s16+$0x0], $0xffff  }
0x6c: {  	v34 =	vadd.s32 $0x69, v34;
	v36 =	vld.idx.msk [tilespmem:v36+s16+$0x0], $0xffff  }
0x6d: {  	v31 =	vadd.s32 $0x7E, v31;
	v41 =	vadd.f32 v43, v41;
	v39 =	vadd.f32 v42, v39;
	v33 =	vld.idx.msk [tilespmem:v33+s16+$0x0], $0xffff  }
0x6e: {  	v32 =	vadd.s32 $0x78, v32;
	v35 =	vld.idx.msk [tilespmem:v35+s16+$0x0], $0xffff  }
0x6f: {  	v30 =	vadd.s32 $0x8D, v30;
	v41 =	vadd.f32 v45, v41;
	v39 =	vadd.f32 v44, v39;
	v38 =	vld.idx.msk [tilespmem:v38+s16+$0x0], $0xffff  }
0x70: {  	v29 =	vadd.s32 $0x83, v29;
	v37 =	vld.idx.msk [tilespmem:v37+s16+$0x0], $0xffff  }
0x71: {  	v28 =	vadd.s32 $0xA0, v28;
	v40 =	vadd.f32 v40, v41;
	v39 =	vadd.f32 v47, v39;
	v34 =	vld.idx.msk [tilespmem:v34+s16+$0x0], $0xffff  }
0x72: {  	v27 =	vadd.s32 $0x98, v27;
	v31 =	vld.idx.msk [tilespmem:v31+s16+$0x0], $0xffff  }
0x73: {  	v33 =	vadd.f32 v33, v40;
	v36 =	vadd.f32 v36, v39;
	v32 =	vld.idx.msk [tilespmem:v32+s16+$0x0], $0xffff  }
0x74: {  	v30 =	vld.idx.msk [tilespmem:v30+s16+$0x0], $0xffff  }
0x75: {  	v33 =	vadd.f32 v38, v33;
	v35 =	vadd.f32 v35, v36;
	v29 =	vld.idx.msk [tilespmem:v29+s16+$0x0], $0xffff  }
0x76: {  	v28 =	vld.idx.msk [tilespmem:v28+s16+$0x0], $0xffff  }
0x77: {  	v33 =	vadd.f32 v34, v33;
	v34 =	vadd.f32 v37, v35;
	v27 =	vld.idx.msk [tilespmem:v27+s16+$0x0], $0xffff;
	_ =	sdelay $0x1  }
0x78: {  	v32 =	vadd.f32 v32, v33;
	v31 =	vadd.f32 v31, v34;
	_ =	sdelay $0x1  }
0x79: {  	v29 =	vadd.f32 v29, v32;
	v30 =	vadd.f32 v30, v31;
	_ =	sdelay $0x1  }
0x7a: {  	v27 =	vadd.f32 v27, v29;
	v28 =	vadd.f32 v28, v30;
	_ =	sdelay $0x1  }
0x7b: {  	v27 =	vadd.f32 v28, v27;
	_ =	sdelay $0x1  }
0x7c: {  	v28 =	vand.u32 $0x7FFFFFFF, v27  }
0x7d: {  	v28 =	vsub.f32 $0.0e+00, v28;
	_ =	sdelay $0x1  }
0x7e: {  	v28 =	vmul.f32 $1.442695020e+00, v28;
	_ =	sdelay $0x1  }
0x7f: {  	(erf) = vpow2.f32 v28;
	_ =	sdelay $0x8  }
0x80: {  	v28 =	vpop (erf)  }
0x81: {  	v28 =	vadd.f32 $1.000000000e+00, v28;
	_ =	sdelay $0x1  }
0x82: {  	(erf) = vrcp.f32 v28;
	_ =	sdelay $0x6  }
0x83: {  	v28 =	vor.u32 s22, v0  }
0x84: {  	v29 =	vshll.u32 v26, $0x3;
	v33 =	vmul.u32 $0x18, v28;
	v26 =	vmov v28  }
0x85: {  	v28 =	vor.u32 $0x1, v29;
	v30 =	vpop (erf)  }
0x86: {  	v31 =	vadd.s32 $0x15, v33;
	v32 =	vsub.f32 $1.000000000e+00, v30  }
0x87: {  	vm0 =	vgt.f32 v27, $0.0e+00;
	v34 =	vadd.s32 $0x14, v33  }
0x88: {  	v35 =	vadd.s32 $0x13, v33;
	v27 =	vsel vm0, v32, v30  }
0x89: {  	v36 =	vadd.s32 $0x12, v33;
	v30 =	vsel vm0, v30, v32;
	[tilespmem:v29+s17+$0x0] =	vst.idx.msk $0xffff, v27  }
0x8a: {  	v32 =	vadd.s32 $0x11, v33;
	[tilespmem:v28+s17+$0x0] =	vst.idx.msk $0xffff, v30  }
0x8b: {  	v39 =	vadd.s32 $0x10, v33;
	v28 =	vld.idx.msk [tilespmem:v31+s3+$0x0], $0xffff  }
.Ltmp0:
0x8c: {  	v37 =	vadd.s32 $0xF, v33;
	v27 =	vld.idx.msk [tilespmem:v34+s3+$0x0], $0xffff;
	(pc) =	sbr.rel @p0 .LBB2_2-.Ltmp0, $4  }
0x8d: {  	v34 =	vadd.s32 $0xE, v33;
	v30 =	vld.idx.msk [tilespmem:v35+s3+$0x0], $0xffff  }
0x8e: {  	v35 =	vadd.s32 $0xD, v33;
	v29 =	vld.idx.msk [tilespmem:v36+s3+$0x0], $0xffff  }
0x8f: {  	v38 =	vadd.s32 $0xC, v33;
	v31 =	vld.idx.msk [tilespmem:v32+s3+$0x0], $0xffff  }
0x90: {  	s22 =	sadd.s32 $0x10, s22;
	v36 =	vadd.s32 $0xB, v33;
	v32 =	vld.idx.msk [tilespmem:v39+s3+$0x0], $0xffff  }
0x91: {  	_ =	sdelay $0x3  }
0x92: {  	v37 =	vld.idx.msk [tilespmem:v37+s3+$0x0], $0xffff  }
0x93: {  	v39 =	vor.u32 $0x3, v33;
	v34 =	vld.idx.msk [tilespmem:v34+s3+$0x0], $0xffff  }
0x94: {  	v40 =	vor.u32 $0x1, v33;
	v35 =	vld.idx.msk [tilespmem:v35+s3+$0x0], $0xffff  }
0x95: {  	v41 =	vor.u32 $0x2, v33;
	v38 =	vld.idx.msk [tilespmem:v38+s3+$0x0], $0xffff  }
0x96: {  	v42 =	vor.u32 $0x5, v33;
	v36 =	vld.idx.msk [tilespmem:v36+s3+$0x0], $0xffff  }
0x97: {  	v43 =	vor.u32 $0x4, v33;
	v46 =	vld.idx.msk [tilespmem:v33+s3+$0x0], $0xffff  }
0x98: {  	v44 =	vor.u32 $0x7, v33;
	v39 =	vld.idx.msk [tilespmem:v39+s3+$0x0], $0xffff  }
0x99: {  	v45 =	vor.u32 $0x6, v33;
	v40 =	vld.idx.msk [tilespmem:v40+s3+$0x0], $0xffff  }
0x9a: {  	v47 =	vadd.s32 $0x9, v33;
	v41 =	vld.idx.msk [tilespmem:v41+s3+$0x0], $0xffff  }
0x9b: {  	v48 =	vadd.s32 $0x8, v33;
	v42 =	vld.idx.msk [tilespmem:v42+s3+$0x0], $0xffff  }
0x9c: {  	v59 =	vadd.s32 $0xA, v33;
	v43 =	vld.idx.msk [tilespmem:v43+s3+$0x0], $0xffff  }
0x9d: {  	v44 =	vld.idx.msk [tilespmem:v44+s3+$0x0], $0xffff  }
0x9e: {  	v45 =	vld.idx.msk [tilespmem:v45+s3+$0x0], $0xffff;
	v40 =	vadd.s32 $0x7, v40  }
0x9f: {  	v47 =	vld.idx.msk [tilespmem:v47+s3+$0x0], $0xffff;
	v39 =	vadd.s32 $0x19, v39  }
0xa0: {  	v48 =	vld.idx.msk [tilespmem:v48+s3+$0x0], $0xffff;
	v41 =	vadd.s32 $0xD, v41  }
0xa1: {  	v33 =	vld.idx.msk [tilespmem:v59+s3+$0x0], $0xffff;
	v42 =	vadd.s32 $0x28, v42  }
0xa2: {  	v46 =	vld.idx.msk [tilespmem:v46+s16+$0x0], $0xffff;
	v43 =	vadd.s32 $0x1D, v43  }
0xa3: {  	v44 =	vadd.s32 $0x33, v44;
	v40 =	vld.idx.msk [tilespmem:v40+s16+$0x0], $0xffff  }
0xa4: {  	v45 =	vadd.s32 $0x2E, v45;
	v39 =	vld.idx.msk [tilespmem:v39+s16+$0x0], $0xffff  }
0xa5: {  	v47 =	vadd.s32 $0x45, v47;
	v41 =	vld.idx.msk [tilespmem:v41+s16+$0x0], $0xffff  }
0xa6: {  	v48 =	vadd.s32 $0x37, v48;
	v42 =	vld.idx.msk [tilespmem:v42+s16+$0x0], $0xffff  }
0xa7: {  	v36 =	vadd.s32 $0x52, v36;
	v43 =	vld.idx.msk [tilespmem:v43+s16+$0x0], $0xffff  }
0xa8: {  	v33 =	vadd.s32 $0x49, v33;
	v46 =	vadd.f32 v46, v25;
	v44 =	vld.idx.msk [tilespmem:v44+s16+$0x0], $0xffff;
	v40 =	vadd.f32 $0.0e+00, v40  }
0xa9: {  	v35 =	vadd.s32 $0x5E, v35;
	v45 =	vld.idx.msk [tilespmem:v45+s16+$0x0], $0xffff  }
0xaa: {  	v38 =	vadd.s32 $0x58, v38;
	v47 =	vld.idx.msk [tilespmem:v47+s16+$0x0], $0xffff;
	v41 =	vadd.f32 v41, v46;
	v39 =	vadd.f32 v39, v40  }
0xab: {  	v37 =	vadd.s32 $0x74, v37;
	v60 =	vld.idx.msk [tilespmem:v48+s16+$0x0], $0xffff  }
0xac: {  	v34 =	vadd.s32 $0x69, v34;
	v36 =	vld.idx.msk [tilespmem:v36+s16+$0x0], $0xffff;
	v41 =	vadd.f32 v43, v41;
	v39 =	vadd.f32 v42, v39  }
0xad: {  	v31 =	vadd.s32 $0x7E, v31;
	v33 =	vld.idx.msk [tilespmem:v33+s16+$0x0], $0xffff  }
0xae: {  	v32 =	vadd.s32 $0x78, v32;
	v35 =	vld.idx.msk [tilespmem:v35+s16+$0x0], $0xffff;
	v41 =	vadd.f32 v45, v41;
	v39 =	vadd.f32 v44, v39  }
0xaf: {  	v30 =	vadd.s32 $0x8D, v30;
	v38 =	vld.idx.msk [tilespmem:v38+s16+$0x0], $0xffff  }
0xb0: {  	v29 =	vadd.s32 $0x83, v29;
	v37 =	vld.idx.msk [tilespmem:v37+s16+$0x0], $0xffff;
	v40 =	vadd.f32 v60, v41;
	v39 =	vadd.f32 v47, v39  }
0xb1: {  	v28 =	vadd.s32 $0xA0, v28;
	v34 =	vld.idx.msk [tilespmem:v34+s16+$0x0], $0xffff  }
0xb2: {  	v27 =	vadd.s32 $0x98, v27;
	v31 =	vld.idx.msk [tilespmem:v31+s16+$0x0], $0xffff;
	v33 =	vadd.f32 v33, v40;
	v36 =	vadd.f32 v36, v39  }
0xb3: {  	v32 =	vld.idx.msk [tilespmem:v32+s16+$0x0], $0xffff  }
0xb4: {  	v30 =	vld.idx.msk [tilespmem:v30+s16+$0x0], $0xffff;
	v33 =	vadd.f32 v38, v33;
	v35 =	vadd.f32 v35, v36  }
0xb5: {  	v29 =	vld.idx.msk [tilespmem:v29+s16+$0x0], $0xffff  }
0xb6: {  	v28 =	vld.idx.msk [tilespmem:v28+s16+$0x0], $0xffff;
	v33 =	vadd.f32 v34, v33;
	v61 =	vadd.f32 v37, v35  }
0xb7: {  	v27 =	vld.idx.msk [tilespmem:v27+s16+$0x0], $0xffff  }
0xb8: {  	v32 =	vadd.f32 v32, v33;
	v31 =	vadd.f32 v31, v61;
	_ =	sdelay $0x1  }
0xb9: {  	v29 =	vadd.f32 v29, v32;
	v30 =	vadd.f32 v30, v31;
	_ =	sdelay $0x1  }
0xba: {  	v27 =	vadd.f32 v27, v29;
	v28 =	vadd.f32 v28, v30;
	_ =	sdelay $0x1  }
0xbb: {  	v27 =	vadd.f32 v28, v27;
	_ =	sdelay $0x1  }
0xbc: {  	v28 =	vand.u32 $0x7FFFFFFF, v27  }
0xbd: {  	v28 =	vsub.f32 $0.0e+00, v28;
	_ =	sdelay $0x1  }
0xbe: {  	v28 =	vmul.f32 $1.442695020e+00, v28;
	_ =	sdelay $0x1  }
0xbf: {  	(erf) = vpow2.f32 v28;
	_ =	sdelay $0x8  }
0xc0: {  	v28 =	vpop (erf)  }
0xc1: {  	v28 =	vadd.f32 $1.000000000e+00, v28;
	_ =	sdelay $0x1  }
0xc2: {  	(erf) = vrcp.f32 v28;
	_ =	sdelay $0x7  }
0xc3: {  	v28 =	vshll.u32 v26, $0x3  }
0xc4: {  	s22 =	simm.s32 $0x80;
	v29 =	vor.u32 $0x1, v28;
	v30 =	vpop (erf)  }
0xc5: {  	v26 =	vor.u32 s22, v0;
	v31 =	vsub.f32 $1.000000000e+00, v30  }
0xc6: {  	vm0 =	vgt.f32 v27, $0.0e+00;
	v33 =	vmul.u32 $0x18, v26  }
0xc7: {  	v27 =	vsel vm0, v31, v30  }
0xc8: {  	v30 =	vsel vm0, v30, v31;
	[tilespmem:v28+s17+$0x0] =	vst.idx.msk $0xffff, v27;
	v27 =	vadd.s32 $0x15, v33  }
0xc9: {  	v63 =	vadd.s32 $0x10, v33;
	[tilespmem:v29+s17+$0x0] =	vst.idx.msk $0xffff, v30  }
0xca: {  	v29 =	vadd.s32 $0x14, v33;
	_ =	swait.ge [sflag:s18], $0xC00  }
0xcb: {  	v30 =	vadd.s32 $0x13, v33;
	[sflag:s18] =	ssyncset.done $0x0  }
0xcc: {  	v31 =	vadd.s32 $0x12, v33;
	[sflag:s18] =	ssyncadd.s32 $0xFFFFF400  }
0xcd: {  	v62 =	vadd.s32 $0x11, v33;
	v28 =	vld.idx.msk [tilespmem:v27+s3+$0x0], $0xffff  }
0xce: {  	v37 =	vadd.s32 $0xF, v33;
	v32 =	vld.idx.msk [tilespmem:v63+s3+$0x0], $0xffff  }
0xcf: {  	v34 =	vadd.s32 $0xE, v33;
	v27 =	vld.idx.msk [tilespmem:v29+s3+$0x0], $0xffff  }
0xd0: {  	v35 =	vadd.s32 $0xD, v33;
	v30 =	vld.idx.msk [tilespmem:v30+s3+$0x0], $0xffff  }
0xd1: {  	v38 =	vadd.s32 $0xC, v33;
	v29 =	vld.idx.msk [tilespmem:v31+s3+$0x0], $0xffff  }
0xd2: {  	s22 =	simm.s32 $0x90;
	v36 =	vadd.s32 $0xB, v33;
	v31 =	vld.idx.msk [tilespmem:v62+s3+$0x0], $0xffff  }
.LBB2_4:
0xd3: {  	p0 =	sne.s32 s22, $0xF0;
	v39 =	vor.u32 $0x3, v33;
	v37 =	vld.idx.msk [tilespmem:v37+s3+$0x0], $0xffff  }
0xd4: {  	v40 =	vor.u32 $0x1, v33;
	v34 =	vld.idx.msk [tilespmem:v34+s3+$0x0], $0xffff  }
0xd5: {  	v41 =	vor.u32 $0x2, v33;
	v35 =	vld.idx.msk [tilespmem:v35+s3+$0x0], $0xffff  }
0xd6: {  	v38 =	vld.idx.msk [tilespmem:v38+s3+$0x0], $0xffff  }
0xd7: {  	v42 =	vor.u32 $0x5, v33;
	v36 =	vld.idx.msk [tilespmem:v36+s3+$0x0], $0xffff  }
0xd8: {  	v43 =	vor.u32 $0x4, v33;
	v39 =	vld.idx.msk [tilespmem:v39+s3+$0x0], $0xffff  }
0xd9: {  	v44 =	vor.u32 $0x7, v33;
	v40 =	vld.idx.msk [tilespmem:v40+s3+$0x0], $0xffff  }
0xda: {  	v45 =	vor.u32 $0x6, v33;
	v41 =	vld.idx.msk [tilespmem:v41+s3+$0x0], $0xffff  }
0xdb: {  	v47 =	vadd.s32 $0x9, v33;
	v46 =	vld.idx.msk [tilespmem:v33+s3+$0x0], $0xffff  }
0xdc: {  	v48 =	vadd.s32 $0x8, v33;
	v42 =	vld.idx.msk [tilespmem:v42+s3+$0x0], $0xffff  }
0xdd: {  	v33 =	vadd.s32 $0xA, v33;
	v43 =	vld.idx.msk [tilespmem:v43+s3+$0x0], $0xffff  }
0xde: {  	v44 =	vld.idx.msk [tilespmem:v44+s3+$0x0], $0xffff  }
0xdf: {  	v40 =	vadd.s32 $0x7, v40;
	v45 =	vld.idx.msk [tilespmem:v45+s3+$0x0], $0xffff  }
0xe0: {  	v39 =	vadd.s32 $0x19, v39;
	v47 =	vld.idx.msk [tilespmem:v47+s3+$0x0], $0xffff  }
0xe1: {  	v41 =	vadd.s32 $0xD, v41;
	v48 =	vld.idx.msk [tilespmem:v48+s3+$0x0], $0xffff  }
0xe2: {  	v42 =	vadd.s32 $0x28, v42;
	v33 =	vld.idx.msk [tilespmem:v33+s3+$0x0], $0xffff  }
0xe3: {  	v43 =	vadd.s32 $0x1D, v43;
	v46 =	vld.idx.msk [tilespmem:v46+s16+$0x0], $0xffff  }
0xe4: {  	v44 =	vadd.s32 $0x33, v44;
	v40 =	vld.idx.msk [tilespmem:v40+s16+$0x0], $0xffff  }
0xe5: {  	v45 =	vadd.s32 $0x2E, v45;
	v39 =	vld.idx.msk [tilespmem:v39+s16+$0x0], $0xffff  }
0xe6: {  	v47 =	vadd.s32 $0x45, v47;
	v41 =	vld.idx.msk [tilespmem:v41+s16+$0x0], $0xffff  }
0xe7: {  	v48 =	vadd.s32 $0x37, v48;
	v42 =	vld.idx.msk [tilespmem:v42+s16+$0x0], $0xffff  }
0xe8: {  	v36 =	vadd.s32 $0x52, v36;
	v43 =	vld.idx.msk [tilespmem:v43+s16+$0x0], $0xffff  }
0xe9: {  	v33 =	vadd.s32 $0x49, v33;
	v44 =	vld.idx.msk [tilespmem:v44+s16+$0x0], $0xffff  }
0xea: {  	v35 =	vadd.s32 $0x5E, v35;
	v46 =	vadd.f32 v46, v25;
	v40 =	vadd.f32 $0.0e+00, v40;
	v45 =	vld.idx.msk [tilespmem:v45+s16+$0x0], $0xffff  }
0xeb: {  	v38 =	vadd.s32 $0x58, v38;
	v47 =	vld.idx.msk [tilespmem:v47+s16+$0x0], $0xffff  }
0xec: {  	v37 =	vadd.s32 $0x74, v37;
	v41 =	vadd.f32 v41, v46;
	v39 =	vadd.f32 v39, v40;
	v40 =	vld.idx.msk [tilespmem:v48+s16+$0x0], $0xffff  }
0xed: {  	v34 =	vadd.s32 $0x69, v34;
	v36 =	vld.idx.msk [tilespmem:v36+s16+$0x0], $0xffff  }
0xee: {  	v31 =	vadd.s32 $0x7E, v31;
	v41 =	vadd.f32 v43, v41;
	v39 =	vadd.f32 v42, v39;
	v33 =	vld.idx.msk [tilespmem:v33+s16+$0x0], $0xffff  }
0xef: {  	v32 =	vadd.s32 $0x78, v32;
	v35 =	vld.idx.msk [tilespmem:v35+s16+$0x0], $0xffff  }
0xf0: {  	v30 =	vadd.s32 $0x8D, v30;
	v41 =	vadd.f32 v45, v41;
	v39 =	vadd.f32 v44, v39;
	v38 =	vld.idx.msk [tilespmem:v38+s16+$0x0], $0xffff  }
0xf1: {  	v29 =	vadd.s32 $0x83, v29;
	v37 =	vld.idx.msk [tilespmem:v37+s16+$0x0], $0xffff  }
0xf2: {  	v28 =	vadd.s32 $0xA0, v28;
	v40 =	vadd.f32 v40, v41;
	v39 =	vadd.f32 v47, v39;
	v34 =	vld.idx.msk [tilespmem:v34+s16+$0x0], $0xffff  }
0xf3: {  	v27 =	vadd.s32 $0x98, v27;
	v31 =	vld.idx.msk [tilespmem:v31+s16+$0x0], $0xffff  }
0xf4: {  	v33 =	vadd.f32 v33, v40;
	v36 =	vadd.f32 v36, v39;
	v32 =	vld.idx.msk [tilespmem:v32+s16+$0x0], $0xffff  }
0xf5: {  	v30 =	vld.idx.msk [tilespmem:v30+s16+$0x0], $0xffff  }
0xf6: {  	v33 =	vadd.f32 v38, v33;
	v35 =	vadd.f32 v35, v36;
	v29 =	vld.idx.msk [tilespmem:v29+s16+$0x0], $0xffff  }
0xf7: {  	v28 =	vld.idx.msk [tilespmem:v28+s16+$0x0], $0xffff  }
0xf8: {  	v33 =	vadd.f32 v34, v33;
	v34 =	vadd.f32 v37, v35;
	v27 =	vld.idx.msk [tilespmem:v27+s16+$0x0], $0xffff;
	_ =	sdelay $0x1  }
0xf9: {  	v32 =	vadd.f32 v32, v33;
	v31 =	vadd.f32 v31, v34;
	_ =	sdelay $0x1  }
0xfa: {  	v29 =	vadd.f32 v29, v32;
	v30 =	vadd.f32 v30, v31;
	_ =	sdelay $0x1  }
0xfb: {  	v27 =	vadd.f32 v27, v29;
	v28 =	vadd.f32 v28, v30;
	_ =	sdelay $0x1  }
0xfc: {  	v27 =	vadd.f32 v28, v27;
	_ =	sdelay $0x1  }
0xfd: {  	v28 =	vand.u32 $0x7FFFFFFF, v27  }
0xfe: {  	v28 =	vsub.f32 $0.0e+00, v28;
	_ =	sdelay $0x1  }
0xff: {  	v28 =	vmul.f32 $1.442695020e+00, v28;
	_ =	sdelay $0x1  }
0x100: {  	(erf) = vpow2.f32 v28;
	_ =	sdelay $0x8  }
0x101: {  	v28 =	vpop (erf)  }
0x102: {  	v28 =	vadd.f32 $1.000000000e+00, v28;
	_ =	sdelay $0x1  }
0x103: {  	(erf) = vrcp.f32 v28;
	_ =	sdelay $0x6  }
0x104: {  	v28 =	vor.u32 s22, v0  }
0x105: {  	v29 =	vshll.u32 v26, $0x3;
	v33 =	vmul.u32 $0x18, v28;
	v26 =	vmov v28  }
0x106: {  	v28 =	vor.u32 $0x1, v29;
	v30 =	vpop (erf)  }
0x107: {  	v31 =	vadd.s32 $0x15, v33;
	v32 =	vsub.f32 $1.000000000e+00, v30  }
0x108: {  	vm0 =	vgt.f32 v27, $0.0e+00;
	v34 =	vadd.s32 $0x14, v33  }
0x109: {  	v35 =	vadd.s32 $0x13, v33;
	v27 =	vsel vm0, v32, v30  }
0x10a: {  	v36 =	vadd.s32 $0x12, v33;
	v30 =	vsel vm0, v30, v32;
	[tilespmem:v29+s17+$0x0] =	vst.idx.msk $0xffff, v27  }
0x10b: {  	v32 =	vadd.s32 $0x11, v33;
	[tilespmem:v28+s17+$0x0] =	vst.idx.msk $0xffff, v30  }
0x10c: {  	v39 =	vadd.s32 $0x10, v33;
	v28 =	vld.idx.msk [tilespmem:v31+s3+$0x0], $0xffff  }
.Ltmp1:
0x10d: {  	v37 =	vadd.s32 $0xF, v33;
	v27 =	vld.idx.msk [tilespmem:v34+s3+$0x0], $0xffff;
	(pc) =	sbr.rel @p0 .LBB2_4-.Ltmp1, $4  }
0x10e: {  	v34 =	vadd.s32 $0xE, v33;
	v30 =	vld.idx.msk [tilespmem:v35+s3+$0x0], $0xffff  }
0x10f: {  	v35 =	vadd.s32 $0xD, v33;
	v29 =	vld.idx.msk [tilespmem:v36+s3+$0x0], $0xffff  }
0x110: {  	v38 =	vadd.s32 $0xC, v33;
	v31 =	vld.idx.msk [tilespmem:v32+s3+$0x0], $0xffff  }
0x111: {  	s22 =	sadd.s32 $0x10, s22;
	v36 =	vadd.s32 $0xB, v33;
	v32 =	vld.idx.msk [tilespmem:v39+s3+$0x0], $0xffff  }
0x112: {  	_ =	sdelay $0x3  }
0x113: {  	v37 =	vld.idx.msk [tilespmem:v37+s3+$0x0], $0xffff  }
0x114: {  	v39 =	vor.u32 $0x3, v33;
	v34 =	vld.idx.msk [tilespmem:v34+s3+$0x0], $0xffff  }
0x115: {  	v40 =	vor.u32 $0x1, v33;
	v35 =	vld.idx.msk [tilespmem:v35+s3+$0x0], $0xffff  }
0x116: {  	v41 =	vor.u32 $0x2, v33;
	v38 =	vld.idx.msk [tilespmem:v38+s3+$0x0], $0xffff  }
0x117: {  	v42 =	vor.u32 $0x5, v33;
	v36 =	vld.idx.msk [tilespmem:v36+s3+$0x0], $0xffff  }
0x118: {  	v43 =	vor.u32 $0x4, v33;
	v46 =	vld.idx.msk [tilespmem:v33+s3+$0x0], $0xffff  }
0x119: {  	v44 =	vor.u32 $0x7, v33;
	v39 =	vld.idx.msk [tilespmem:v39+s3+$0x0], $0xffff  }
0x11a: {  	v45 =	vor.u32 $0x6, v33;
	v40 =	vld.idx.msk [tilespmem:v40+s3+$0x0], $0xffff  }
0x11b: {  	v47 =	vadd.s32 $0x9, v33;
	v41 =	vld.idx.msk [tilespmem:v41+s3+$0x0], $0xffff  }
0x11c: {  	v48 =	vadd.s32 $0x8, v33;
	v42 =	vld.idx.msk [tilespmem:v42+s3+$0x0], $0xffff  }
0x11d: {  	v59 =	vadd.s32 $0xA, v33;
	v43 =	vld.idx.msk [tilespmem:v43+s3+$0x0], $0xffff  }
0x11e: {  	v44 =	vld.idx.msk [tilespmem:v44+s3+$0x0], $0xffff  }
0x11f: {  	v45 =	vld.idx.msk [tilespmem:v45+s3+$0x0], $0xffff;
	v40 =	vadd.s32 $0x7, v40  }
0x120: {  	v47 =	vld.idx.msk [tilespmem:v47+s3+$0x0], $0xffff;
	v39 =	vadd.s32 $0x19, v39  }
0x121: {  	v48 =	vld.idx.msk [tilespmem:v48+s3+$0x0], $0xffff;
	v41 =	vadd.s32 $0xD, v41  }
0x122: {  	v33 =	vld.idx.msk [tilespmem:v59+s3+$0x0], $0xffff;
	v42 =	vadd.s32 $0x28, v42  }
0x123: {  	v46 =	vld.idx.msk [tilespmem:v46+s16+$0x0], $0xffff;
	v43 =	vadd.s32 $0x1D, v43  }
0x124: {  	v44 =	vadd.s32 $0x33, v44;
	v40 =	vld.idx.msk [tilespmem:v40+s16+$0x0], $0xffff  }
0x125: {  	v45 =	vadd.s32 $0x2E, v45;
	v39 =	vld.idx.msk [tilespmem:v39+s16+$0x0], $0xffff  }
0x126: {  	v47 =	vadd.s32 $0x45, v47;
	v41 =	vld.idx.msk [tilespmem:v41+s16+$0x0], $0xffff  }
0x127: {  	v48 =	vadd.s32 $0x37, v48;
	v42 =	vld.idx.msk [tilespmem:v42+s16+$0x0], $0xffff  }
0x128: {  	v36 =	vadd.s32 $0x52, v36;
	v43 =	vld.idx.msk [tilespmem:v43+s16+$0x0], $0xffff  }
0x129: {  	v33 =	vadd.s32 $0x49, v33;
	v46 =	vadd.f32 v46, v25;
	v44 =	vld.idx.msk [tilespmem:v44+s16+$0x0], $0xffff;
	v40 =	vadd.f32 $0.0e+00, v40  }
0x12a: {  	v35 =	vadd.s32 $0x5E, v35;
	v45 =	vld.idx.msk [tilespmem:v45+s16+$0x0], $0xffff  }
0x12b: {  	v38 =	vadd.s32 $0x58, v38;
	v47 =	vld.idx.msk [tilespmem:v47+s16+$0x0], $0xffff;
	v41 =	vadd.f32 v41, v46;
	v39 =	vadd.f32 v39, v40  }
0x12c: {  	v37 =	vadd.s32 $0x74, v37;
	v60 =	vld.idx.msk [tilespmem:v48+s16+$0x0], $0xffff  }
0x12d: {  	v34 =	vadd.s32 $0x69, v34;
	v36 =	vld.idx.msk [tilespmem:v36+s16+$0x0], $0xffff;
	v41 =	vadd.f32 v43, v41;
	v39 =	vadd.f32 v42, v39  }
0x12e: {  	v31 =	vadd.s32 $0x7E, v31;
	v33 =	vld.idx.msk [tilespmem:v33+s16+$0x0], $0xffff  }
0x12f: {  	v32 =	vadd.s32 $0x78, v32;
	v35 =	vld.idx.msk [tilespmem:v35+s16+$0x0], $0xffff;
	v41 =	vadd.f32 v45, v41;
	v39 =	vadd.f32 v44, v39  }
0x130: {  	v30 =	vadd.s32 $0x8D, v30;
	v38 =	vld.idx.msk [tilespmem:v38+s16+$0x0], $0xffff  }
0x131: {  	v29 =	vadd.s32 $0x83, v29;
	v37 =	vld.idx.msk [tilespmem:v37+s16+$0x0], $0xffff;
	v40 =	vadd.f32 v60, v41;
	v39 =	vadd.f32 v47, v39  }
0x132: {  	v28 =	vadd.s32 $0xA0, v28;
	v34 =	vld.idx.msk [tilespmem:v34+s16+$0x0], $0xffff  }
0x133: {  	v27 =	vadd.s32 $0x98, v27;
	v31 =	vld.idx.msk [tilespmem:v31+s16+$0x0], $0xffff;
	v33 =	vadd.f32 v33, v40;
	v36 =	vadd.f32 v36, v39  }
0x134: {  	v32 =	vld.idx.msk [tilespmem:v32+s16+$0x0], $0xffff  }
0x135: {  	v30 =	vld.idx.msk [tilespmem:v30+s16+$0x0], $0xffff;
	v33 =	vadd.f32 v38, v33;
	v35 =	vadd.f32 v35, v36  }
0x136: {  	v29 =	vld.idx.msk [tilespmem:v29+s16+$0x0], $0xffff  }
0x137: {  	v28 =	vld.idx.msk [tilespmem:v28+s16+$0x0], $0xffff;
	v33 =	vadd.f32 v34, v33;
	v61 =	vadd.f32 v37, v35  }
0x138: {  	v27 =	vld.idx.msk [tilespmem:v27+s16+$0x0], $0xffff  }
0x139: {  	v32 =	vadd.f32 v32, v33;
	v31 =	vadd.f32 v31, v61;
	_ =	sdelay $0x1  }
0x13a: {  	v29 =	vadd.f32 v29, v32;
	v30 =	vadd.f32 v30, v31;
	_ =	sdelay $0x1  }
0x13b: {  	v27 =	vadd.f32 v27, v29;
	v28 =	vadd.f32 v28, v30;
	_ =	sdelay $0x1  }
0x13c: {  	v27 =	vadd.f32 v28, v27;
	_ =	sdelay $0x1  }
0x13d: {  	v28 =	vand.u32 $0x7FFFFFFF, v27  }
0x13e: {  	v28 =	vsub.f32 $0.0e+00, v28;
	_ =	sdelay $0x1  }
0x13f: {  	v28 =	vmul.f32 $1.442695020e+00, v28;
	_ =	sdelay $0x1  }
0x140: {  	(erf) = vpow2.f32 v28;
	_ =	sdelay $0x8  }
0x141: {  	v28 =	vpop (erf)  }
0x142: {  	v28 =	vadd.f32 $1.000000000e+00, v28;
	_ =	sdelay $0x1  }
0x143: {  	(erf) = vrcp.f32 v28;
	_ =	sdelay $0x7  }
0x144: {  	v28 =	vshll.u32 v26, $0x3  }
0x145: {  	s22 =	simm.s32 $0x100;
	v29 =	vor.u32 $0x1, v28;
	v30 =	vpop (erf)  }
0x146: {  	v26 =	vor.u32 s22, v0;
	v31 =	vsub.f32 $1.000000000e+00, v30  }
0x147: {  	vm0 =	vgt.f32 v27, $0.0e+00;
	v33 =	vmul.u32 $0x18, v26  }
0x148: {  	v27 =	vsel vm0, v31, v30  }
0x149: {  	v30 =	vsel vm0, v30, v31;
	[tilespmem:v28+s17+$0x0] =	vst.idx.msk $0xffff, v27;
	v27 =	vadd.s32 $0x15, v33  }
0x14a: {  	v63 =	vadd.s32 $0x10, v33;
	[tilespmem:v29+s17+$0x0] =	vst.idx.msk $0xffff, v30  }
0x14b: {  	v29 =	vadd.s32 $0x14, v33;
	_ =	swait.ge [sflag:s19], $0xC00  }
0x14c: {  	v30 =	vadd.s32 $0x13, v33;
	[sflag:s19] =	ssyncset.done $0x0  }
0x14d: {  	v31 =	vadd.s32 $0x12, v33;
	[sflag:s19] =	ssyncadd.s32 $0xFFFFF400  }
0x14e: {  	v62 =	vadd.s32 $0x11, v33;
	v28 =	vld.idx.msk [tilespmem:v27+s3+$0x0], $0xffff  }
0x14f: {  	v37 =	vadd.s32 $0xF, v33;
	v32 =	vld.idx.msk [tilespmem:v63+s3+$0x0], $0xffff  }
0x150: {  	v34 =	vadd.s32 $0xE, v33;
	v27 =	vld.idx.msk [tilespmem:v29+s3+$0x0], $0xffff  }
0x151: {  	v35 =	vadd.s32 $0xD, v33;
	v30 =	vld.idx.msk [tilespmem:v30+s3+$0x0], $0xffff  }
0x152: {  	v38 =	vadd.s32 $0xC, v33;
	v29 =	vld.idx.msk [tilespmem:v31+s3+$0x0], $0xffff  }
0x153: {  	s22 =	simm.s32 $0x110;
	v36 =	vadd.s32 $0xB, v33;
	v31 =	vld.idx.msk [tilespmem:v62+s3+$0x0], $0xffff  }
.LBB2_6:
0x154: {  	p0 =	sne.s32 s22, $0x170;
	v39 =	vor.u32 $0x3, v33;
	v37 =	vld.idx.msk [tilespmem:v37+s3+$0x0], $0xffff  }
0x155: {  	v40 =	vor.u32 $0x1, v33;
	v34 =	vld.idx.msk [tilespmem:v34+s3+$0x0], $0xffff  }
0x156: {  	v41 =	vor.u32 $0x2, v33;
	v35 =	vld.idx.msk [tilespmem:v35+s3+$0x0], $0xffff  }
0x157: {  	v38 =	vld.idx.msk [tilespmem:v38+s3+$0x0], $0xffff  }
0x158: {  	v42 =	vor.u32 $0x5, v33;
	v36 =	vld.idx.msk [tilespmem:v36+s3+$0x0], $0xffff  }
0x159: {  	v43 =	vor.u32 $0x4, v33;
	v39 =	vld.idx.msk [tilespmem:v39+s3+$0x0], $0xffff  }
0x15a: {  	v44 =	vor.u32 $0x7, v33;
	v40 =	vld.idx.msk [tilespmem:v40+s3+$0x0], $0xffff  }
0x15b: {  	v45 =	vor.u32 $0x6, v33;
	v41 =	vld.idx.msk [tilespmem:v41+s3+$0x0], $0xffff  }
0x15c: {  	v47 =	vadd.s32 $0x9, v33;
	v46 =	vld.idx.msk [tilespmem:v33+s3+$0x0], $0xffff  }
0x15d: {  	v48 =	vadd.s32 $0x8, v33;
	v42 =	vld.idx.msk [tilespmem:v42+s3+$0x0], $0xffff  }
0x15e: {  	v33 =	vadd.s32 $0xA, v33;
	v43 =	vld.idx.msk [tilespmem:v43+s3+$0x0], $0xffff  }
0x15f: {  	v44 =	vld.idx.msk [tilespmem:v44+s3+$0x0], $0xffff  }
0x160: {  	v40 =	vadd.s32 $0x7, v40;
	v45 =	vld.idx.msk [tilespmem:v45+s3+$0x0], $0xffff  }
0x161: {  	v39 =	vadd.s32 $0x19, v39;
	v47 =	vld.idx.msk [tilespmem:v47+s3+$0x0], $0xffff  }
0x162: {  	v41 =	vadd.s32 $0xD, v41;
	v48 =	vld.idx.msk [tilespmem:v48+s3+$0x0], $0xffff  }
0x163: {  	v42 =	vadd.s32 $0x28, v42;
	v33 =	vld.idx.msk [tilespmem:v33+s3+$0x0], $0xffff  }
0x164: {  	v43 =	vadd.s32 $0x1D, v43;
	v46 =	vld.idx.msk [tilespmem:v46+s16+$0x0], $0xffff  }
0x165: {  	v44 =	vadd.s32 $0x33, v44;
	v40 =	vld.idx.msk [tilespmem:v40+s16+$0x0], $0xffff  }
0x166: {  	v45 =	vadd.s32 $0x2E, v45;
	v39 =	vld.idx.msk [tilespmem:v39+s16+$0x0], $0xffff  }
0x167: {  	v47 =	vadd.s32 $0x45, v47;
	v41 =	vld.idx.msk [tilespmem:v41+s16+$0x0], $0xffff  }
0x168: {  	v48 =	vadd.s32 $0x37, v48;
	v42 =	vld.idx.msk [tilespmem:v42+s16+$0x0], $0xffff  }
0x169: {  	v36 =	vadd.s32 $0x52, v36;
	v43 =	vld.idx.msk [tilespmem:v43+s16+$0x0], $0xffff  }
0x16a: {  	v33 =	vadd.s32 $0x49, v33;
	v44 =	vld.idx.msk [tilespmem:v44+s16+$0x0], $0xffff  }
0x16b: {  	v35 =	vadd.s32 $0x5E, v35;
	v46 =	vadd.f32 v46, v25;
	v40 =	vadd.f32 $0.0e+00, v40;
	v45 =	vld.idx.msk [tilespmem:v45+s16+$0x0], $0xffff  }
0x16c: {  	v38 =	vadd.s32 $0x58, v38;
	v47 =	vld.idx.msk [tilespmem:v47+s16+$0x0], $0xffff  }
0x16d: {  	v37 =	vadd.s32 $0x74, v37;
	v41 =	vadd.f32 v41, v46;
	v39 =	vadd.f32 v39, v40;
	v40 =	vld.idx.msk [tilespmem:v48+s16+$0x0], $0xffff  }
0x16e: {  	v34 =	vadd.s32 $0x69, v34;
	v36 =	vld.idx.msk [tilespmem:v36+s16+$0x0], $0xffff  }
0x16f: {  	v31 =	vadd.s32 $0x7E, v31;
	v41 =	vadd.f32 v43, v41;
	v39 =	vadd.f32 v42, v39;
	v33 =	vld.idx.msk [tilespmem:v33+s16+$0x0], $0xffff  }
0x170: {  	v32 =	vadd.s32 $0x78, v32;
	v35 =	vld.idx.msk [tilespmem:v35+s16+$0x0], $0xffff  }
0x171: {  	v30 =	vadd.s32 $0x8D, v30;
	v41 =	vadd.f32 v45, v41;
	v39 =	vadd.f32 v44, v39;
	v38 =	vld.idx.msk [tilespmem:v38+s16+$0x0], $0xffff  }
0x172: {  	v29 =	vadd.s32 $0x83, v29;
	v37 =	vld.idx.msk [tilespmem:v37+s16+$0x0], $0xffff  }
0x173: {  	v28 =	vadd.s32 $0xA0, v28;
	v40 =	vadd.f32 v40, v41;
	v39 =	vadd.f32 v47, v39;
	v34 =	vld.idx.msk [tilespmem:v34+s16+$0x0], $0xffff  }
0x174: {  	v27 =	vadd.s32 $0x98, v27;
	v31 =	vld.idx.msk [tilespmem:v31+s16+$0x0], $0xffff  }
0x175: {  	v33 =	vadd.f32 v33, v40;
	v36 =	vadd.f32 v36, v39;
	v32 =	vld.idx.msk [tilespmem:v32+s16+$0x0], $0xffff  }
0x176: {  	v30 =	vld.idx.msk [tilespmem:v30+s16+$0x0], $0xffff  }
0x177: {  	v33 =	vadd.f32 v38, v33;
	v35 =	vadd.f32 v35, v36;
	v29 =	vld.idx.msk [tilespmem:v29+s16+$0x0], $0xffff  }
0x178: {  	v28 =	vld.idx.msk [tilespmem:v28+s16+$0x0], $0xffff  }
0x179: {  	v33 =	vadd.f32 v34, v33;
	v34 =	vadd.f32 v37, v35;
	v27 =	vld.idx.msk [tilespmem:v27+s16+$0x0], $0xffff;
	_ =	sdelay $0x1  }
0x17a: {  	v32 =	vadd.f32 v32, v33;
	v31 =	vadd.f32 v31, v34;
	_ =	sdelay $0x1  }
0x17b: {  	v29 =	vadd.f32 v29, v32;
	v30 =	vadd.f32 v30, v31;
	_ =	sdelay $0x1  }
0x17c: {  	v27 =	vadd.f32 v27, v29;
	v28 =	vadd.f32 v28, v30;
	_ =	sdelay $0x1  }
0x17d: {  	v27 =	vadd.f32 v28, v27;
	_ =	sdelay $0x1  }
0x17e: {  	v28 =	vand.u32 $0x7FFFFFFF, v27  }
0x17f: {  	v28 =	vsub.f32 $0.0e+00, v28;
	_ =	sdelay $0x1  }
0x180: {  	v28 =	vmul.f32 $1.442695020e+00, v28;
	_ =	sdelay $0x1  }
0x181: {  	(erf) = vpow2.f32 v28;
	_ =	sdelay $0x8  }
0x182: {  	v28 =	vpop (erf)  }
0x183: {  	v28 =	vadd.f32 $1.000000000e+00, v28;
	_ =	sdelay $0x1  }
0x184: {  	(erf) = vrcp.f32 v28;
	_ =	sdelay $0x6  }
0x185: {  	v28 =	vor.u32 s22, v0  }
0x186: {  	v29 =	vshll.u32 v26, $0x3;
	v33 =	vmul.u32 $0x18, v28;
	v26 =	vmov v28  }
0x187: {  	v28 =	vor.u32 $0x1, v29;
	v30 =	vpop (erf)  }
0x188: {  	v31 =	vadd.s32 $0x15, v33;
	v32 =	vsub.f32 $1.000000000e+00, v30  }
0x189: {  	vm0 =	vgt.f32 v27, $0.0e+00;
	v34 =	vadd.s32 $0x14, v33  }
0x18a: {  	v35 =	vadd.s32 $0x13, v33;
	v27 =	vsel vm0, v32, v30  }
0x18b: {  	v36 =	vadd.s32 $0x12, v33;
	v30 =	vsel vm0, v30, v32;
	[tilespmem:v29+s17+$0x0] =	vst.idx.msk $0xffff, v27  }
0x18c: {  	v32 =	vadd.s32 $0x11, v33;
	[tilespmem:v28+s17+$0x0] =	vst.idx.msk $0xffff, v30  }
0x18d: {  	v39 =	vadd.s32 $0x10, v33;
	v28 =	vld.idx.msk [tilespmem:v31+s3+$0x0], $0xffff  }
.Ltmp2:
0x18e: {  	v37 =	vadd.s32 $0xF, v33;
	v27 =	vld.idx.msk [tilespmem:v34+s3+$0x0], $0xffff;
	(pc) =	sbr.rel @p0 .LBB2_6-.Ltmp2, $4  }
0x18f: {  	v34 =	vadd.s32 $0xE, v33;
	v30 =	vld.idx.msk [tilespmem:v35+s3+$0x0], $0xffff  }
0x190: {  	v35 =	vadd.s32 $0xD, v33;
	v29 =	vld.idx.msk [tilespmem:v36+s3+$0x0], $0xffff  }
0x191: {  	v38 =	vadd.s32 $0xC, v33;
	v31 =	vld.idx.msk [tilespmem:v32+s3+$0x0], $0xffff  }
0x192: {  	s22 =	sadd.s32 $0x10, s22;
	v36 =	vadd.s32 $0xB, v33;
	v32 =	vld.idx.msk [tilespmem:v39+s3+$0x0], $0xffff  }
0x193: {  	_ =	sdelay $0x3  }
0x194: {  	v37 =	vld.idx.msk [tilespmem:v37+s3+$0x0], $0xffff  }
0x195: {  	v39 =	vor.u32 $0x3, v33;
	v34 =	vld.idx.msk [tilespmem:v34+s3+$0x0], $0xffff  }
0x196: {  	v40 =	vor.u32 $0x1, v33;
	v35 =	vld.idx.msk [tilespmem:v35+s3+$0x0], $0xffff  }
0x197: {  	v41 =	vor.u32 $0x2, v33;
	v38 =	vld.idx.msk [tilespmem:v38+s3+$0x0], $0xffff  }
0x198: {  	v42 =	vor.u32 $0x5, v33;
	v36 =	vld.idx.msk [tilespmem:v36+s3+$0x0], $0xffff  }
0x199: {  	v43 =	vor.u32 $0x4, v33;
	v46 =	vld.idx.msk [tilespmem:v33+s3+$0x0], $0xffff  }
0x19a: {  	v44 =	vor.u32 $0x7, v33;
	v39 =	vld.idx.msk [tilespmem:v39+s3+$0x0], $0xffff  }
0x19b: {  	v45 =	vor.u32 $0x6, v33;
	v40 =	vld.idx.msk [tilespmem:v40+s3+$0x0], $0xffff  }
0x19c: {  	v47 =	vadd.s32 $0x9, v33;
	v41 =	vld.idx.msk [tilespmem:v41+s3+$0x0], $0xffff  }
0x19d: {  	v48 =	vadd.s32 $0x8, v33;
	v42 =	vld.idx.msk [tilespmem:v42+s3+$0x0], $0xffff  }
0x19e: {  	v59 =	vadd.s32 $0xA, v33;
	v43 =	vld.idx.msk [tilespmem:v43+s3+$0x0], $0xffff  }
0x19f: {  	v44 =	vld.idx.msk [tilespmem:v44+s3+$0x0], $0xffff  }
0x1a0: {  	v45 =	vld.idx.msk [tilespmem:v45+s3+$0x0], $0xffff;
	v40 =	vadd.s32 $0x7, v40  }
0x1a1: {  	v47 =	vld.idx.msk [tilespmem:v47+s3+$0x0], $0xffff;
	v39 =	vadd.s32 $0x19, v39  }
0x1a2: {  	v48 =	vld.idx.msk [tilespmem:v48+s3+$0x0], $0xffff;
	v41 =	vadd.s32 $0xD, v41  }
0x1a3: {  	v33 =	vld.idx.msk [tilespmem:v59+s3+$0x0], $0xffff;
	v42 =	vadd.s32 $0x28, v42  }
0x1a4: {  	v46 =	vld.idx.msk [tilespmem:v46+s16+$0x0], $0xffff;
	v43 =	vadd.s32 $0x1D, v43  }
0x1a5: {  	v44 =	vadd.s32 $0x33, v44;
	v40 =	vld.idx.msk [tilespmem:v40+s16+$0x0], $0xffff  }
0x1a6: {  	v45 =	vadd.s32 $0x2E, v45;
	v39 =	vld.idx.msk [tilespmem:v39+s16+$0x0], $0xffff  }
0x1a7: {  	v47 =	vadd.s32 $0x45, v47;
	v41 =	vld.idx.msk [tilespmem:v41+s16+$0x0], $0xffff  }
0x1a8: {  	v48 =	vadd.s32 $0x37, v48;
	v42 =	vld.idx.msk [tilespmem:v42+s16+$0x0], $0xffff  }
0x1a9: {  	v36 =	vadd.s32 $0x52, v36;
	v43 =	vld.idx.msk [tilespmem:v43+s16+$0x0], $0xffff  }
0x1aa: {  	v33 =	vadd.s32 $0x49, v33;
	v46 =	vadd.f32 v46, v25;
	v44 =	vld.idx.msk [tilespmem:v44+s16+$0x0], $0xffff;
	v40 =	vadd.f32 $0.0e+00, v40  }
0x1ab: {  	v35 =	vadd.s32 $0x5E, v35;
	v45 =	vld.idx.msk [tilespmem:v45+s16+$0x0], $0xffff  }
0x1ac: {  	v38 =	vadd.s32 $0x58, v38;
	v47 =	vld.idx.msk [tilespmem:v47+s16+$0x0], $0xffff;
	v41 =	vadd.f32 v41, v46;
	v39 =	vadd.f32 v39, v40  }
0x1ad: {  	v37 =	vadd.s32 $0x74, v37;
	v60 =	vld.idx.msk [tilespmem:v48+s16+$0x0], $0xffff  }
0x1ae: {  	v34 =	vadd.s32 $0x69, v34;
	v36 =	vld.idx.msk [tilespmem:v36+s16+$0x0], $0xffff;
	v41 =	vadd.f32 v43, v41;
	v39 =	vadd.f32 v42, v39  }
0x1af: {  	v31 =	vadd.s32 $0x7E, v31;
	v33 =	vld.idx.msk [tilespmem:v33+s16+$0x0], $0xffff  }
0x1b0: {  	v32 =	vadd.s32 $0x78, v32;
	v35 =	vld.idx.msk [tilespmem:v35+s16+$0x0], $0xffff;
	v41 =	vadd.f32 v45, v41;
	v39 =	vadd.f32 v44, v39  }
0x1b1: {  	v30 =	vadd.s32 $0x8D, v30;
	v38 =	vld.idx.msk [tilespmem:v38+s16+$0x0], $0xffff  }
0x1b2: {  	v29 =	vadd.s32 $0x83, v29;
	v37 =	vld.idx.msk [tilespmem:v37+s16+$0x0], $0xffff;
	v40 =	vadd.f32 v60, v41;
	v39 =	vadd.f32 v47, v39  }
0x1b3: {  	v28 =	vadd.s32 $0xA0, v28;
	v34 =	vld.idx.msk [tilespmem:v34+s16+$0x0], $0xffff  }
0x1b4: {  	v27 =	vadd.s32 $0x98, v27;
	v31 =	vld.idx.msk [tilespmem:v31+s16+$0x0], $0xffff;
	v33 =	vadd.f32 v33, v40;
	v36 =	vadd.f32 v36, v39  }
0x1b5: {  	v32 =	vld.idx.msk [tilespmem:v32+s16+$0x0], $0xffff  }
0x1b6: {  	v30 =	vld.idx.msk [tilespmem:v30+s16+$0x0], $0xffff;
	v33 =	vadd.f32 v38, v33;
	v35 =	vadd.f32 v35, v36  }
0x1b7: {  	v29 =	vld.idx.msk [tilespmem:v29+s16+$0x0], $0xffff  }
0x1b8: {  	v28 =	vld.idx.msk [tilespmem:v28+s16+$0x0], $0xffff;
	v33 =	vadd.f32 v34, v33;
	v61 =	vadd.f32 v37, v35  }
0x1b9: {  	v27 =	vld.idx.msk [tilespmem:v27+s16+$0x0], $0xffff  }
0x1ba: {  	v32 =	vadd.f32 v32, v33;
	v31 =	vadd.f32 v31, v61;
	_ =	sdelay $0x1  }
0x1bb: {  	v29 =	vadd.f32 v29, v32;
	v30 =	vadd.f32 v30, v31;
	_ =	sdelay $0x1  }
0x1bc: {  	v27 =	vadd.f32 v27, v29;
	v28 =	vadd.f32 v28, v30;
	_ =	sdelay $0x1  }
0x1bd: {  	v27 =	vadd.f32 v28, v27;
	_ =	sdelay $0x1  }
0x1be: {  	v28 =	vand.u32 $0x7FFFFFFF, v27  }
0x1bf: {  	v28 =	vsub.f32 $0.0e+00, v28;
	_ =	sdelay $0x1  }
0x1c0: {  	v28 =	vmul.f32 $1.442695020e+00, v28;
	_ =	sdelay $0x1  }
0x1c1: {  	(erf) = vpow2.f32 v28;
	_ =	sdelay $0x8  }
0x1c2: {  	v28 =	vpop (erf)  }
0x1c3: {  	v28 =	vadd.f32 $1.000000000e+00, v28;
	_ =	sdelay $0x1  }
0x1c4: {  	(erf) = vrcp.f32 v28;
	_ =	sdelay $0x7  }
0x1c5: {  	v28 =	vshll.u32 v26, $0x3  }
0x1c6: {  	s22 =	simm.s32 $0x180;
	v29 =	vor.u32 $0x1, v28;
	v30 =	vpop (erf)  }
0x1c7: {  	v26 =	vor.u32 s22, v0;
	v31 =	vsub.f32 $1.000000000e+00, v30  }
0x1c8: {  	vm0 =	vgt.f32 v27, $0.0e+00;
	v33 =	vmul.u32 $0x18, v26  }
0x1c9: {  	v27 =	vsel vm0, v31, v30  }
0x1ca: {  	v30 =	vsel vm0, v30, v31;
	[tilespmem:v28+s17+$0x0] =	vst.idx.msk $0xffff, v27;
	v27 =	vadd.s32 $0x15, v33  }
0x1cb: {  	v63 =	vadd.s32 $0x10, v33;
	[tilespmem:v29+s17+$0x0] =	vst.idx.msk $0xffff, v30  }
0x1cc: {  	v29 =	vadd.s32 $0x14, v33;
	_ =	swait.ge [sflag:s20], $0xC00  }
0x1cd: {  	v30 =	vadd.s32 $0x13, v33;
	[sflag:s20] =	ssyncset.done $0x0  }
0x1ce: {  	v31 =	vadd.s32 $0x12, v33;
	[sflag:s20] =	ssyncadd.s32 $0xFFFFF400  }
0x1cf: {  	v62 =	vadd.s32 $0x11, v33;
	v28 =	vld.idx.msk [tilespmem:v27+s3+$0x0], $0xffff  }
0x1d0: {  	v37 =	vadd.s32 $0xF, v33;
	v32 =	vld.idx.msk [tilespmem:v63+s3+$0x0], $0xffff  }
0x1d1: {  	v34 =	vadd.s32 $0xE, v33;
	v27 =	vld.idx.msk [tilespmem:v29+s3+$0x0], $0xffff  }
0x1d2: {  	v35 =	vadd.s32 $0xD, v33;
	v30 =	vld.idx.msk [tilespmem:v30+s3+$0x0], $0xffff  }
0x1d3: {  	v38 =	vadd.s32 $0xC, v33;
	v29 =	vld.idx.msk [tilespmem:v31+s3+$0x0], $0xffff  }
0x1d4: {  	s22 =	simm.s32 $0x190;
	v36 =	vadd.s32 $0xB, v33;
	v31 =	vld.idx.msk [tilespmem:v62+s3+$0x0], $0xffff  }
.LBB2_8:
0x1d5: {  	p0 =	sne.s32 s22, $0x1F0;
	v39 =	vor.u32 $0x3, v33;
	v37 =	vld.idx.msk [tilespmem:v37+s3+$0x0], $0xffff  }
0x1d6: {  	v40 =	vor.u32 $0x1, v33;
	v34 =	vld.idx.msk [tilespmem:v34+s3+$0x0], $0xffff  }
0x1d7: {  	v41 =	vor.u32 $0x2, v33;
	v35 =	vld.idx.msk [tilespmem:v35+s3+$0x0], $0xffff  }
0x1d8: {  	v38 =	vld.idx.msk [tilespmem:v38+s3+$0x0], $0xffff  }
0x1d9: {  	v42 =	vor.u32 $0x5, v33;
	v36 =	vld.idx.msk [tilespmem:v36+s3+$0x0], $0xffff  }
0x1da: {  	v43 =	vor.u32 $0x4, v33;
	v39 =	vld.idx.msk [tilespmem:v39+s3+$0x0], $0xffff  }
0x1db: {  	v44 =	vor.u32 $0x7, v33;
	v40 =	vld.idx.msk [tilespmem:v40+s3+$0x0], $0xffff  }
0x1dc: {  	v45 =	vor.u32 $0x6, v33;
	v41 =	vld.idx.msk [tilespmem:v41+s3+$0x0], $0xffff  }
0x1dd: {  	v47 =	vadd.s32 $0x9, v33;
	v46 =	vld.idx.msk [tilespmem:v33+s3+$0x0], $0xffff  }
0x1de: {  	v48 =	vadd.s32 $0x8, v33;
	v42 =	vld.idx.msk [tilespmem:v42+s3+$0x0], $0xffff  }
0x1df: {  	v33 =	vadd.s32 $0xA, v33;
	v43 =	vld.idx.msk [tilespmem:v43+s3+$0x0], $0xffff  }
0x1e0: {  	v44 =	vld.idx.msk [tilespmem:v44+s3+$0x0], $0xffff  }
0x1e1: {  	v40 =	vadd.s32 $0x7, v40;
	v45 =	vld.idx.msk [tilespmem:v45+s3+$0x0], $0xffff  }
0x1e2: {  	v39 =	vadd.s32 $0x19, v39;
	v47 =	vld.idx.msk [tilespmem:v47+s3+$0x0], $0xffff  }
0x1e3: {  	v41 =	vadd.s32 $0xD, v41;
	v48 =	vld.idx.msk [tilespmem:v48+s3+$0x0], $0xffff  }
0x1e4: {  	v42 =	vadd.s32 $0x28, v42;
	v33 =	vld.idx.msk [tilespmem:v33+s3+$0x0], $0xffff  }
0x1e5: {  	v43 =	vadd.s32 $0x1D, v43;
	v46 =	vld.idx.msk [tilespmem:v46+s16+$0x0], $0xffff  }
0x1e6: {  	v44 =	vadd.s32 $0x33, v44;
	v40 =	vld.idx.msk [tilespmem:v40+s16+$0x0], $0xffff  }
0x1e7: {  	v45 =	vadd.s32 $0x2E, v45;
	v39 =	vld.idx.msk [tilespmem:v39+s16+$0x0], $0xffff  }
0x1e8: {  	v47 =	vadd.s32 $0x45, v47;
	v41 =	vld.idx.msk [tilespmem:v41+s16+$0x0], $0xffff  }
0x1e9: {  	v48 =	vadd.s32 $0x37, v48;
	v42 =	vld.idx.msk [tilespmem:v42+s16+$0x0], $0xffff  }
0x1ea: {  	v36 =	vadd.s32 $0x52, v36;
	v43 =	vld.idx.msk [tilespmem:v43+s16+$0x0], $0xffff  }
0x1eb: {  	v33 =	vadd.s32 $0x49, v33;
	v44 =	vld.idx.msk [tilespmem:v44+s16+$0x0], $0xffff  }
0x1ec: {  	v35 =	vadd.s32 $0x5E, v35;
	v46 =	vadd.f32 v46, v25;
	v40 =	vadd.f32 $0.0e+00, v40;
	v45 =	vld.idx.msk [tilespmem:v45+s16+$0x0], $0xffff  }
0x1ed: {  	v38 =	vadd.s32 $0x58, v38;
	v47 =	vld.idx.msk [tilespmem:v47+s16+$0x0], $0xffff  }
0x1ee: {  	v37 =	vadd.s32 $0x74, v37;
	v41 =	vadd.f32 v41, v46;
	v39 =	vadd.f32 v39, v40;
	v40 =	vld.idx.msk [tilespmem:v48+s16+$0x0], $0xffff  }
0x1ef: {  	v34 =	vadd.s32 $0x69, v34;
	v36 =	vld.idx.msk [tilespmem:v36+s16+$0x0], $0xffff  }
0x1f0: {  	v31 =	vadd.s32 $0x7E, v31;
	v41 =	vadd.f32 v43, v41;
	v39 =	vadd.f32 v42, v39;
	v33 =	vld.idx.msk [tilespmem:v33+s16+$0x0], $0xffff  }
0x1f1: {  	v32 =	vadd.s32 $0x78, v32;
	v35 =	vld.idx.msk [tilespmem:v35+s16+$0x0], $0xffff  }
0x1f2: {  	v30 =	vadd.s32 $0x8D, v30;
	v41 =	vadd.f32 v45, v41;
	v39 =	vadd.f32 v44, v39;
	v38 =	vld.idx.msk [tilespmem:v38+s16+$0x0], $0xffff  }
0x1f3: {  	v29 =	vadd.s32 $0x83, v29;
	v37 =	vld.idx.msk [tilespmem:v37+s16+$0x0], $0xffff  }
0x1f4: {  	v28 =	vadd.s32 $0xA0, v28;
	v40 =	vadd.f32 v40, v41;
	v39 =	vadd.f32 v47, v39;
	v34 =	vld.idx.msk [tilespmem:v34+s16+$0x0], $0xffff  }
0x1f5: {  	v27 =	vadd.s32 $0x98, v27;
	v31 =	vld.idx.msk [tilespmem:v31+s16+$0x0], $0xffff  }
0x1f6: {  	v33 =	vadd.f32 v33, v40;
	v36 =	vadd.f32 v36, v39;
	v32 =	vld.idx.msk [tilespmem:v32+s16+$0x0], $0xffff  }
0x1f7: {  	v30 =	vld.idx.msk [tilespmem:v30+s16+$0x0], $0xffff  }
0x1f8: {  	v33 =	vadd.f32 v38, v33;
	v35 =	vadd.f32 v35, v36;
	v29 =	vld.idx.msk [tilespmem:v29+s16+$0x0], $0xffff  }
0x1f9: {  	v28 =	vld.idx.msk [tilespmem:v28+s16+$0x0], $0xffff  }
0x1fa: {  	v33 =	vadd.f32 v34, v33;
	v34 =	vadd.f32 v37, v35;
	v27 =	vld.idx.msk [tilespmem:v27+s16+$0x0], $0xffff;
	_ =	sdelay $0x1  }
0x1fb: {  	v32 =	vadd.f32 v32, v33;
	v31 =	vadd.f32 v31, v34;
	_ =	sdelay $0x1  }
0x1fc: {  	v29 =	vadd.f32 v29, v32;
	v30 =	vadd.f32 v30, v31;
	_ =	sdelay $0x1  }
0x1fd: {  	v27 =	vadd.f32 v27, v29;
	v28 =	vadd.f32 v28, v30;
	_ =	sdelay $0x1  }
0x1fe: {  	v27 =	vadd.f32 v28, v27;
	_ =	sdelay $0x1  }
0x1ff: {  	v28 =	vand.u32 $0x7FFFFFFF, v27  }
0x200: {  	v28 =	vsub.f32 $0.0e+00, v28;
	_ =	sdelay $0x1  }
0x201: {  	v28 =	vmul.f32 $1.442695020e+00, v28;
	_ =	sdelay $0x1  }
0x202: {  	(erf) = vpow2.f32 v28;
	_ =	sdelay $0x8  }
0x203: {  	v28 =	vpop (erf)  }
0x204: {  	v28 =	vadd.f32 $1.000000000e+00, v28;
	_ =	sdelay $0x1  }
0x205: {  	(erf) = vrcp.f32 v28;
	_ =	sdelay $0x6  }
0x206: {  	v28 =	vor.u32 s22, v0  }
0x207: {  	v29 =	vshll.u32 v26, $0x3;
	v33 =	vmul.u32 $0x18, v28;
	v26 =	vmov v28  }
0x208: {  	v28 =	vor.u32 $0x1, v29;
	v30 =	vpop (erf)  }
0x209: {  	v31 =	vadd.s32 $0x15, v33;
	v32 =	vsub.f32 $1.000000000e+00, v30  }
0x20a: {  	vm0 =	vgt.f32 v27, $0.0e+00;
	v34 =	vadd.s32 $0x14, v33  }
0x20b: {  	v35 =	vadd.s32 $0x13, v33;
	v27 =	vsel vm0, v32, v30  }
0x20c: {  	v36 =	vadd.s32 $0x12, v33;
	v30 =	vsel vm0, v30, v32;
	[tilespmem:v29+s17+$0x0] =	vst.idx.msk $0xffff, v27  }
0x20d: {  	v32 =	vadd.s32 $0x11, v33;
	[tilespmem:v28+s17+$0x0] =	vst.idx.msk $0xffff, v30  }
0x20e: {  	v39 =	vadd.s32 $0x10, v33;
	v28 =	vld.idx.msk [tilespmem:v31+s3+$0x0], $0xffff  }
.Ltmp3:
0x20f: {  	v37 =	vadd.s32 $0xF, v33;
	v27 =	vld.idx.msk [tilespmem:v34+s3+$0x0], $0xffff;
	(pc) =	sbr.rel @p0 .LBB2_8-.Ltmp3, $4  }
0x210: {  	v34 =	vadd.s32 $0xE, v33;
	v30 =	vld.idx.msk [tilespmem:v35+s3+$0x0], $0xffff  }
0x211: {  	v35 =	vadd.s32 $0xD, v33;
	v29 =	vld.idx.msk [tilespmem:v36+s3+$0x0], $0xffff  }
0x212: {  	v38 =	vadd.s32 $0xC, v33;
	v31 =	vld.idx.msk [tilespmem:v32+s3+$0x0], $0xffff  }
0x213: {  	s22 =	sadd.s32 $0x10, s22;
	v36 =	vadd.s32 $0xB, v33;
	v32 =	vld.idx.msk [tilespmem:v39+s3+$0x0], $0xffff  }
0x214: {  	_ =	sdelay $0x3  }
0x215: {  	v37 =	vld.idx.msk [tilespmem:v37+s3+$0x0], $0xffff  }
0x216: {  	v39 =	vor.u32 $0x3, v33;
	v34 =	vld.idx.msk [tilespmem:v34+s3+$0x0], $0xffff  }
0x217: {  	v40 =	vor.u32 $0x1, v33;
	v35 =	vld.idx.msk [tilespmem:v35+s3+$0x0], $0xffff  }
0x218: {  	v41 =	vor.u32 $0x2, v33;
	v38 =	vld.idx.msk [tilespmem:v38+s3+$0x0], $0xffff  }
0x219: {  	v42 =	vor.u32 $0x5, v33;
	v36 =	vld.idx.msk [tilespmem:v36+s3+$0x0], $0xffff  }
0x21a: {  	v43 =	vor.u32 $0x4, v33;
	v46 =	vld.idx.msk [tilespmem:v33+s3+$0x0], $0xffff  }
0x21b: {  	v44 =	vor.u32 $0x7, v33;
	v39 =	vld.idx.msk [tilespmem:v39+s3+$0x0], $0xffff  }
0x21c: {  	v45 =	vor.u32 $0x6, v33;
	v40 =	vld.idx.msk [tilespmem:v40+s3+$0x0], $0xffff  }
0x21d: {  	v47 =	vadd.s32 $0x9, v33;
	v41 =	vld.idx.msk [tilespmem:v41+s3+$0x0], $0xffff  }
0x21e: {  	v48 =	vadd.s32 $0x8, v33;
	v42 =	vld.idx.msk [tilespmem:v42+s3+$0x0], $0xffff  }
0x21f: {  	v57 =	vadd.s32 $0xA, v33;
	v43 =	vld.idx.msk [tilespmem:v43+s3+$0x0], $0xffff  }
0x220: {  	v44 =	vld.idx.msk [tilespmem:v44+s3+$0x0], $0xffff  }
0x221: {  	v45 =	vld.idx.msk [tilespmem:v45+s3+$0x0], $0xffff;
	v40 =	vadd.s32 $0x7, v40  }
0x222: {  	v47 =	vld.idx.msk [tilespmem:v47+s3+$0x0], $0xffff;
	v39 =	vadd.s32 $0x19, v39  }
0x223: {  	v48 =	vld.idx.msk [tilespmem:v48+s3+$0x0], $0xffff;
	v41 =	vadd.s32 $0xD, v41  }
0x224: {  	v33 =	vld.idx.msk [tilespmem:v57+s3+$0x0], $0xffff;
	v42 =	vadd.s32 $0x28, v42  }
0x225: {  	v46 =	vld.idx.msk [tilespmem:v46+s16+$0x0], $0xffff;
	v43 =	vadd.s32 $0x1D, v43  }
0x226: {  	v44 =	vadd.s32 $0x33, v44;
	v40 =	vld.idx.msk [tilespmem:v40+s16+$0x0], $0xffff  }
0x227: {  	v45 =	vadd.s32 $0x2E, v45;
	v39 =	vld.idx.msk [tilespmem:v39+s16+$0x0], $0xffff  }
0x228: {  	v47 =	vadd.s32 $0x45, v47;
	v41 =	vld.idx.msk [tilespmem:v41+s16+$0x0], $0xffff  }
0x229: {  	v48 =	vadd.s32 $0x37, v48;
	v42 =	vld.idx.msk [tilespmem:v42+s16+$0x0], $0xffff  }
0x22a: {  	v36 =	vadd.s32 $0x52, v36;
	v43 =	vld.idx.msk [tilespmem:v43+s16+$0x0], $0xffff  }
0x22b: {  	v33 =	vadd.s32 $0x49, v33;
	v25 =	vadd.f32 v46, v25;
	v44 =	vld.idx.msk [tilespmem:v44+s16+$0x0], $0xffff;
	v40 =	vadd.f32 $0.0e+00, v40  }
0x22c: {  	v35 =	vadd.s32 $0x5E, v35;
	v45 =	vld.idx.msk [tilespmem:v45+s16+$0x0], $0xffff  }
0x22d: {  	v38 =	vadd.s32 $0x58, v38;
	v58 =	vld.idx.msk [tilespmem:v47+s16+$0x0], $0xffff;
	v25 =	vadd.f32 v41, v25;
	v39 =	vadd.f32 v39, v40  }
0x22e: {  	v37 =	vadd.s32 $0x74, v37;
	v59 =	vld.idx.msk [tilespmem:v48+s16+$0x0], $0xffff  }
0x22f: {  	v34 =	vadd.s32 $0x69, v34;
	v36 =	vld.idx.msk [tilespmem:v36+s16+$0x0], $0xffff;
	v25 =	vadd.f32 v43, v25;
	v39 =	vadd.f32 v42, v39  }
0x230: {  	v31 =	vadd.s32 $0x7E, v31;
	v33 =	vld.idx.msk [tilespmem:v33+s16+$0x0], $0xffff  }
0x231: {  	v32 =	vadd.s32 $0x78, v32;
	v35 =	vld.idx.msk [tilespmem:v35+s16+$0x0], $0xffff;
	v25 =	vadd.f32 v45, v25;
	v39 =	vadd.f32 v44, v39  }
0x232: {  	v30 =	vadd.s32 $0x8D, v30;
	v38 =	vld.idx.msk [tilespmem:v38+s16+$0x0], $0xffff  }
0x233: {  	v29 =	vadd.s32 $0x83, v29;
	v37 =	vld.idx.msk [tilespmem:v37+s16+$0x0], $0xffff;
	v25 =	vadd.f32 v59, v25;
	v39 =	vadd.f32 v58, v39  }
0x234: {  	v28 =	vadd.s32 $0xA0, v28;
	v34 =	vld.idx.msk [tilespmem:v34+s16+$0x0], $0xffff  }
0x235: {  	v27 =	vadd.s32 $0x98, v27;
	v31 =	vld.idx.msk [tilespmem:v31+s16+$0x0], $0xffff;
	v25 =	vadd.f32 v33, v25;
	v60 =	vadd.f32 v36, v39  }
0x236: {  	v32 =	vld.idx.msk [tilespmem:v32+s16+$0x0], $0xffff  }
0x237: {  	v30 =	vld.idx.msk [tilespmem:v30+s16+$0x0], $0xffff;
	v25 =	vadd.f32 v38, v25;
	v33 =	vadd.f32 v35, v60  }
0x238: {  	v29 =	vld.idx.msk [tilespmem:v29+s16+$0x0], $0xffff  }
0x239: {  	v28 =	vld.idx.msk [tilespmem:v28+s16+$0x0], $0xffff;
	v25 =	vadd.f32 v34, v25;
	v33 =	vadd.f32 v37, v33  }
0x23a: {  	v27 =	vld.idx.msk [tilespmem:v27+s16+$0x0], $0xffff  }
0x23b: {  	v25 =	vadd.f32 v32, v25;
	v31 =	vadd.f32 v31, v33;
	_ =	sdelay $0x1  }
0x23c: {  	v25 =	vadd.f32 v29, v25;
	v61 =	vadd.f32 v30, v31;
	_ =	sdelay $0x1  }
0x23d: {  	v25 =	vadd.f32 v27, v25;
	v27 =	vadd.f32 v28, v61;
	_ =	sdelay $0x1  }
0x23e: {  	v25 =	vadd.f32 v27, v25;
	_ =	sdelay $0x1  }
0x23f: {  	v27 =	vand.u32 $0x7FFFFFFF, v25  }
0x240: {  	v27 =	vsub.f32 $0.0e+00, v27;
	_ =	sdelay $0x1  }
0x241: {  	v27 =	vmul.f32 $1.442695020e+00, v27;
	_ =	sdelay $0x1  }
0x242: {  	(erf) = vpow2.f32 v27;
	_ =	sdelay $0x8  }
0x243: {  	v27 =	vpop (erf)  }
0x244: {  	v27 =	vadd.f32 $1.000000000e+00, v27;
	_ =	sdelay $0x1  }
0x245: {  	(erf) = vrcp.f32 v27;
	_ =	sdelay $0x7  }
0x246: {  	v26 =	vshll.u32 v26, $0x3  }
0x247: {  	v27 =	vor.u32 $0x1, v26;
	v62 =	vpop (erf)  }
0x248: {  	v63 =	vsub.f32 $1.000000000e+00, v62  }
0x249: {  	vm0 =	vgt.f32 v25, $0.0e+00  }
0x24a: {  	s21 =	sadd.s32 $0x1, s21;
	v25 =	vsel vm0, v63, v62  }
0x24b: {  	p0 =	sne.s32 s21, s9;
	v28 =	vsel vm0, v62, v63;
	[tilespmem:v26+s17+$0x0] =	vst.idx.msk $0xffff, v25  }
.Ltmp4:
0x24c: {  	[tilespmem:v27+s17+$0x0] =	vst.idx.msk $0xffff, v28;
	(pc) =	sbr.rel @p0 .LBB2_1-.Ltmp4, $4  }
0x24d: {  	[hbm4b:s8+s3] =	stream.linear.scatter [tilespmem:s17], [sflag:$0x5], $0x1000, $0x38;
	[tilespmem:$0x4210] =	vst v63  }
0x24e: {  	_ =	swait.ge [sflag:s14], $0x1000  }
0x24f: {  	[sflag:s14] =	ssyncset.done $0x0  }
0x250: {  	[sflag:s14] =	ssyncadd.s32 $0xFFFFF000  }
0x251: {  	_ =	sfence.sel $0x180000  }
0x252: {  	[bflag:$0x0] =	sbarrier.arrive $0xFFFF  }
0x253: {  	p0 =	sne.s32 s0, $0x0;
	_ =	strace $0x90000047  }
0x254: {  	s0 =	sadd.s32 @!p0 $0x100000, s1;
	[bflag:$0x2] =	sbarrier.arrive $0xFFFF  }
0x255: {  	[sflag:s0] =	ssyncadd.tile.s32 @!p0 $0x1;
	_ =	shalt  }
.Lfunc_end2:
_tile_overlayer_lowered:
.L_overlay_start_2:
0x256: {  	(tag) =	ssettag $0x2  }
0x257: {  	s0 =	rddreg [dreg:$0x0];
	s2 =	stileid.u32  }
0x258: {  	s1 =	rddreg [dreg:$0x1];
	p0 =	sne.s32 s2, $0x0  }
0x259: {  	s3 =	rddreg [dreg:$0x2];
	[bflag:$0x3] =	sbarrier.arrive $0xFFFF;
	s2 =	simm.s32 @!p0 $0x1C05  }
0x25a: {  	[timem:s3], [sflag:s2] =	dma.local @!p0 [hbm:s0], s1  }
0x25b: {  	s0 =	simm.s32 @!p0 $0x5  }
0x25c: {  	_ =	swait.ge @!p0 [sflag:s0], s1  }
0x25d: {  	s1 =	ssub.s32 @!p0 $0x0, s1;
	[sflag:s0] =	ssyncset.done @!p0 $0x0  }
0x25e: {  	[sflag:s0] =	ssyncadd.s32 @!p0 s1  }
0x25f: {  	[bflag:$0x3] =	sbarrier.arrive $0xFFFF  }
0x260: {  	_ =	shalt  }

</sc_bundles>
